<compile_context>
chip_gen: v7x
topology: tpu7x:2x2x1
jax: 0.10.2.dev20260603
libtpu: 0.0.44.dev20260713+nightly
codegen_flags: <defaults>
</compile_context>

<pallas_src>
import functools

import jax
import jax.numpy as jnp
from jax import lax
from jax.experimental import pallas as pl
from jax.experimental.pallas import tpu as pltpu
from jax.experimental.pallas import tpu_sc as plsc

B = 1024
T = 200
C = 256
H = 2
VPAD = 104
NW = 32
B_PER = B // NW


def _table_body(emb_ref, w_ref, b_ref, out_ref):
    out_ref[...] = lax.dot_general(
        emb_ref[...], w_ref[...],
        dimension_numbers=(((1,), (0,)), ((), ())),
        preferred_element_type=jnp.float32,
    ) + b_ref[...]


def _fused_table(emb_pad, w_lin, b_row):
    return pl.pallas_call(
        _table_body,
        out_shape=jax.ShapeDtypeStruct((VPAD, C), jnp.float32),
    )(emb_pad, w_lin, b_row)


@functools.partial(
    pl.kernel,
    mesh=plsc.VectorSubcoreMesh(core_axis_name="c", subcore_axis_name="s"),
    out_type=jax.ShapeDtypeStruct((B, H, T, C), jnp.float32),
    compiler_params=pltpu.CompilerParams(needs_layout_passes=False),
    scratch_types=[
        pltpu.VMEM((T,), jnp.int32),
        pltpu.VMEM((T,), jnp.int32),
        pltpu.VMEM((2, T, C), jnp.float32),
        pltpu.VMEM((VPAD * C,), jnp.float32),
        pltpu.SemaphoreType.DMA((2,)),
        pltpu.SemaphoreType.DMA((2,)),
    ],
)
def _sc_lookup(tv_hbm, x_hbm, out_hbm, xa_v, xb_v, stg_v, tv_v, xsem, wsem):
    wid = lax.axis_index("s") * 2 + lax.axis_index("c")
    b0 = wid * B_PER
    civ = lax.iota(jnp.int32, 16)
    pltpu.sync_copy(tv_hbm, tv_v)
    xbufs = (xa_v, xb_v)
    pltpu.async_copy(x_hbm.at[pl.ds(b0 * T, T)], xa_v, xsem.at[0])

    def xload(i, p):
        nxt = jnp.minimum(i + 1, B_PER - 1)
        pltpu.async_copy(
            x_hbm.at[pl.ds((b0 + nxt) * T, T)], xbufs[1 - p], xsem.at[1 - p])

    def pair_body(i2, carry):
        for p in range(2):
            i = i2 * 2 + p
            b = b0 + i
            stg = stg_v.at[p]
            writes = [
                pltpu.make_async_copy(stg, out_hbm.at[b, h], wsem.at[p])
                for h in range(H)
            ]

            pltpu.make_async_copy(
                x_hbm.at[pl.ds(b * T, T)], xbufs[p], xsem.at[p]).wait()
            xload(i, p)

            @pl.when(i2 > 0)
            def _drain():
                for w in writes:
                    w.wait()

            @plsc.parallel_loop(0, T, 1, unroll=4)
            def _fill(w):
                xsp = plsc.load_gather(xbufs[p], [jnp.full((16,), w, jnp.int32)])
                base = xsp * C
                for k in range(C // 16):
                    lanes = base + (civ + (k * 16))
                    stg_v[p, w, pl.ds(k * 16, 16)] = plsc.load_gather(
                        tv_v, [lanes])

            for w in writes:
                w.start()
        return carry

    lax.fori_loop(0, B_PER // 2, pair_body, 0)

    pltpu.make_async_copy(
        x_hbm.at[pl.ds((b0 + B_PER - 1) * T, T)], xa_v, xsem.at[0]).wait()
    last = b0 + B_PER - 2
    for p in range(2):
        for h in range(H):
            pltpu.make_async_copy(
                stg_v.at[p], out_hbm.at[last + p, h], wsem.at[p]).wait()


def kernel(x, f_xs_shape, embed_table, W_lin, b_lin):
    emb_pad = jnp.zeros((VPAD, embed_table.shape[1]), jnp.float32)
    emb_pad = emb_pad.at[: embed_table.shape[0]].set(embed_table)
    tv = _fused_table(emb_pad, W_lin, b_lin.reshape(1, C))
    out = _sc_lookup(tv.reshape(-1), x.reshape(-1))
    return jnp.transpose(out, (0, 3, 1, 2))

# --- scband reference (transcript-rebuilt; emitter-appended) ---
"""Pipeline reference for scband-text-encoder-fc-83837761617986 (READ-ONLY COPY).

The authoritative reference and input builder live on the scoring server;
editing this copy changes nothing except your own understanding.
"""

import jax, jax.numpy as jnp
import numpy as np


def setup_inputs(seed: int = 0) -> dict:
    key = jax.random.key(seed)
    k1, k2, k3, k4 = jax.random.split(key, 4)
    batch, text_max_len = 1024, 200
    embed_size = 64
    vocab = 103
    x = jax.random.randint(k1, (batch, text_max_len), 0, vocab, dtype=jnp.int32)
    # f_xs_shape is a shape descriptor (Python-int indexable). height_reps=2,
    # width = 200 so width_reps = 200 // 200 = 1 and padding_reps = 0
    # (avoids the .cuda() padding branch in the original torch code).
    f_xs_shape = np.array([batch, 64, 2, 200], dtype=np.int64)
    embed_table = jax.random.normal(k2, (vocab, embed_size), dtype=jnp.float32)
    W_lin = jax.random.normal(k3, (embed_size, 256), dtype=jnp.float32) * (1.0 / np.sqrt(embed_size))
    b_lin = jax.random.normal(k4, (256,), dtype=jnp.float32) * 0.01
    return {"x": x, "f_xs_shape": f_xs_shape, "embed_table": embed_table, "W_lin": W_lin, "b_lin": b_lin}


def reference(x, f_xs_shape, embed_table, W_lin, b_lin):
    # xx = self.embed(x)
    xx = jnp.take(embed_table, x, axis=0)  # [B, T, 64]
    batch_size = xx.shape[0]
    # xx_new = self.linear(xx)
    xx_new = xx @ W_lin + b_lin  # [B, T, 256]
    ts = xx_new.shape[1]
    width = x.shape[1]
    width_reps = width // ts
    if width_reps == 0:
        width_reps = 1
    tensor_list = []
    for i in range(ts):
        tmp = jnp.concatenate([xx_new[:, i:i + 1]] * width_reps, axis=1)
        tensor_list.append(tmp)
    padding_reps = width % ts
    if padding_reps:
        pad_idx = jnp.full((1, 1), 2, dtype=jnp.int32)
        emb_pad = jnp.take(embed_table, pad_idx, axis=0)  # [1, 1, 64]
        emb_pad = emb_pad @ W_lin + b_lin  # [1, 1, 256]
        padding = jnp.tile(emb_pad, (batch_size, padding_reps, 1))
        tensor_list.append(padding)
    res = jnp.concatenate(tensor_list, axis=1)  # [B, W, 256]
    res = jnp.transpose(res, (0, 2, 1))[:, :, None, :]  # [B, 256, 1, W]
    final_res = jnp.repeat(res, f_xs_shape[-2], axis=2, total_repeat_length=2)  # [B, 256, H, W]
    return final_res

if __name__ == "__main__":
    import jax
    _d = setup_inputs()
    print(jax.jit(kernel)(*tuple(_d.values())))

</pallas_src>

<mosaic_0001>
#map = affine_map<(d0, d1) -> (0)>
#map1 = affine_map<(d0, d1) -> (0, 0, 0, 0)>
module attributes {stable_mosaic.version = 14 : i64} {
  func.func @_sc_lookup(%arg0: i32, %arg1: i32, %arg2: memref<26624xf32, #tpu.memory_space<hbm>>, %arg3: memref<204800xi32, #tpu.memory_space<hbm>>, %arg4: memref<1024x2x200x256xf32, #tpu.memory_space<hbm>>, %arg5: memref<200xi32, #tpu.memory_space<vmem>>, %arg6: memref<200xi32, #tpu.memory_space<vmem>>, %arg7: memref<2x200x256xf32, #tpu.memory_space<vmem>>, %arg8: memref<26624xf32, #tpu.memory_space<vmem>>, %arg9: memref<2x!tpu.dma_semaphore, #tpu.memory_space<semaphore_mem>>, %arg10: memref<2x!tpu.dma_semaphore, #tpu.memory_space<semaphore_mem>>) attributes {dimension_semantics = [#tpu.dimension_semantics<core_parallel>, #tpu.dimension_semantics<subcore_parallel>], iteration_bounds = array<i64: 2, 16>, scalar_prefetch = 0 : i64, scratch_operands = 6 : i64, tpu.core_type = #tpu.core_type<sc_vector_subcore>, window_params = [{transform_indices = #map}, {transform_indices = #map}, {transform_indices = #map1}]} {
    %mul3A = arith.constant 2 : i32
    %mul3A_0 = arith.muli %arg1, %mul3A : i32
    %add3A = arith.addi %mul3A_0, %arg0 : i32
    %mul3A_1 = arith.constant 32 : i32
    %mul3A_2 = arith.muli %add3A, %mul3A_1 : i32
    %iota3A = tpu.iota {dimensions = array<i32: 0>} : vector<16xi32>
    "tpu.region"() ({
      %run_scoped3A = tpu.sem_alloc : memref<!tpu.dma_semaphore, #tpu.memory_space<semaphore_mem>>
      tpu.enqueue_dma source(%arg2 : memref<26624xf32, #tpu.memory_space<hbm>>) target(%arg8 : memref<26624xf32, #tpu.memory_space<vmem>>) target_semaphore(%run_scoped3A : memref<!tpu.dma_semaphore, #tpu.memory_space<semaphore_mem>>)
      tpu.wait_dma2 semaphore(%run_scoped3A : memref<!tpu.dma_semaphore, #tpu.memory_space<semaphore_mem>>) src(%arg2 : memref<26624xf32, #tpu.memory_space<hbm>>) dst(%arg8 : memref<26624xf32, #tpu.memory_space<vmem>>)
      tpu.yield
    }) : () -> ()
    %mul3A_3 = arith.constant 200 : i32
    %mul3A_4 = arith.muli %mul3A_2, %mul3A_3 : i32
    %dma_start3A = arith.constant 0 : i32
    %dma_start3A_5 = tpu.memref_slice %arg3[%mul3A_4] : memref<204800xi32, #tpu.memory_space<hbm>> -> memref<200xi32, #tpu.memory_space<hbm>>
    %dma_start3A_6 = tpu.memref_slice %arg9[%dma_start3A] : memref<2x!tpu.dma_semaphore, #tpu.memory_space<semaphore_mem>> -> memref<1x!tpu.dma_semaphore, #tpu.memory_space<semaphore_mem>>
    %dma_start3A_7 = tpu.memref_squeeze %dma_start3A_6 : memref<1x!tpu.dma_semaphore, #tpu.memory_space<semaphore_mem>> -> memref<!tpu.dma_semaphore, #tpu.memory_space<semaphore_mem>>
    %dma_start3A_8 = tpu.memref_slice %arg3[%mul3A_4] : memref<204800xi32, #tpu.memory_space<hbm>> -> memref<200xi32, #tpu.memory_space<hbm>>
    tpu.enqueue_dma source(%dma_start3A_8 : memref<200xi32, #tpu.memory_space<hbm>>) target(%arg5 : memref<200xi32, #tpu.memory_space<vmem>>) target_semaphore(%dma_start3A_7 : memref<!tpu.dma_semaphore, #tpu.memory_space<semaphore_mem>>)
    %scan3A = arith.constant 0 : i32
    %scan3A_9 = arith.constant 0 : i32
    %scan3A_10 = arith.constant 16 : i32
    %scan3A_11 = arith.addi %scan3A_9, %scan3A_10 : i32
    %scan3A_12 = arith.constant 1 : i32
    scf.for %scan3A_119 = %scan3A_9 to %scan3A_11 step %scan3A_12  : i32 {
      %mul3A_120 = arith.constant 2 : i32
      %mul3A_121 = arith.muli %scan3A_119, %mul3A_120 : i32
      %add3A_122 = arith.constant 0 : i32
      %add3A_123 = arith.addi %mul3A_121, %add3A_122 : i32
      %add3A_124 = arith.addi %mul3A_2, %add3A_123 : i32
      %mul3A_125 = arith.constant 200 : i32
      %mul3A_126 = arith.muli %add3A_124, %mul3A_125 : i32
      %dma_wait3A_127 = arith.constant 0 : i32
      %dma_wait3A_128 = tpu.memref_slice %arg3[%mul3A_126] : memref<204800xi32, #tpu.memory_space<hbm>> -> memref<200xi32, #tpu.memory_space<hbm>>
      %dma_wait3A_129 = tpu.memref_slice %arg9[%dma_wait3A_127] : memref<2x!tpu.dma_semaphore, #tpu.memory_space<semaphore_mem>> -> memref<1x!tpu.dma_semaphore, #tpu.memory_space<semaphore_mem>>
      %dma_wait3A_130 = tpu.memref_squeeze %dma_wait3A_129 : memref<1x!tpu.dma_semaphore, #tpu.memory_space<semaphore_mem>> -> memref<!tpu.dma_semaphore, #tpu.memory_space<semaphore_mem>>
      %dma_wait3A_131 = tpu.memref_slice %arg3[%mul3A_126] : memref<204800xi32, #tpu.memory_space<hbm>> -> memref<200xi32, #tpu.memory_space<hbm>>
      tpu.wait_dma2 semaphore(%dma_wait3A_130 : memref<!tpu.dma_semaphore, #tpu.memory_space<semaphore_mem>>) src(%dma_wait3A_131 : memref<200xi32, #tpu.memory_space<hbm>>) dst(%arg5 : memref<200xi32, #tpu.memory_space<vmem>>)
      %add3A_132 = arith.constant 1 : i32
      %add3A_133 = arith.addi %add3A_123, %add3A_132 : i32
      %min3A = arith.constant 31 : i32
      %min3A_134 = arith.minsi %add3A_133, %min3A : i32
      %add3A_135 = arith.addi %mul3A_2, %min3A_134 : i32
      %mul3A_136 = arith.constant 200 : i32
      %mul3A_137 = arith.muli %add3A_135, %mul3A_136 : i32
      %dma_start3A_138 = arith.constant 1 : i32
      %dma_start3A_139 = tpu.memref_slice %arg3[%mul3A_137] : memref<204800xi32, #tpu.memory_space<hbm>> -> memref<200xi32, #tpu.memory_space<hbm>>
      %dma_start3A_140 = tpu.memref_slice %arg9[%dma_start3A_138] : memref<2x!tpu.dma_semaphore, #tpu.memory_space<semaphore_mem>> -> memref<1x!tpu.dma_semaphore, #tpu.memory_space<semaphore_mem>>
      %dma_start3A_141 = tpu.memref_squeeze %dma_start3A_140 : memref<1x!tpu.dma_semaphore, #tpu.memory_space<semaphore_mem>> -> memref<!tpu.dma_semaphore, #tpu.memory_space<semaphore_mem>>
      %dma_start3A_142 = tpu.memref_slice %arg3[%mul3A_137] : memref<204800xi32, #tpu.memory_space<hbm>> -> memref<200xi32, #tpu.memory_space<hbm>>
      tpu.enqueue_dma source(%dma_start3A_142 : memref<200xi32, #tpu.memory_space<hbm>>) target(%arg6 : memref<200xi32, #tpu.memory_space<vmem>>) target_semaphore(%dma_start3A_141 : memref<!tpu.dma_semaphore, #tpu.memory_space<semaphore_mem>>)
      %gt3A = arith.constant 0 : i32
      %gt3A_143 = arith.cmpi sgt, %scan3A_119, %gt3A : i32
      %convert_element_type3A = arith.extui %gt3A_143 : i1 to i32
      %cond3A = arith.constant 0 : i32
      %cond3A_144 = arith.constant 0 : i32
      %cond3A_145 = arith.constant 0 : i32
      %cond3A_146 = arith.constant 1 : i32
      %cond3A_147 = arith.constant 0 : i32
      %cond3A_148 = arith.constant 0 : i32
      %cond3A_149 = arith.cmpi ne, %convert_element_type3A, %cond3A_148 : i32
      scf.if %cond3A_149 {
        %dma_wait3A_273 = arith.constant 0 : i32
        %dma_wait3A_274 = arith.constant 0 : i32
        %dma_wait3A_275 = tpu.memref_slice %arg7[%cond3A, %dma_wait3A_273, %dma_wait3A_274] : memref<2x200x256xf32, #tpu.memory_space<vmem>> -> memref<1x200x256xf32, #tpu.memory_space<vmem>>
        %dma_wait3A_276 = tpu.memref_squeeze %dma_wait3A_275 : memref<1x200x256xf32, #tpu.memory_space<vmem>> -> memref<200x256xf32, #tpu.memory_space<vmem>>
        %dma_wait3A_277 = arith.constant 0 : i32
        %dma_wait3A_278 = arith.constant 0 : i32
        %dma_wait3A_279 = tpu.memref_slice %arg4[%add3A_124, %cond3A_144, %dma_wait3A_277, %dma_wait3A_278] : memref<1024x2x200x256xf32, #tpu.memory_space<hbm>> -> memref<1x1x200x256xf32, #tpu.memory_space<hbm>>
        %dma_wait3A_280 = tpu.memref_squeeze %dma_wait3A_279 : memref<1x1x200x256xf32, #tpu.memory_space<hbm>> -> memref<200x256xf32, #tpu.memory_space<hbm>>
        %dma_wait3A_281 = tpu.memref_slice %arg10[%cond3A_145] : memref<2x!tpu.dma_semaphore, #tpu.memory_space<semaphore_mem>> -> memref<1x!tpu.dma_semaphore, #tpu.memory_space<semaphore_mem>>
        %dma_wait3A_282 = tpu.memref_squeeze %dma_wait3A_281 : memref<1x!tpu.dma_semaphore, #tpu.memory_space<semaphore_mem>> -> memref<!tpu.dma_semaphore, #tpu.memory_space<semaphore_mem>>
        %dma_wait3A_283 = arith.constant 0 : i32
        %dma_wait3A_284 = arith.constant 0 : i32
        %dma_wait3A_285 = tpu.memref_slice %arg4[%add3A_124, %cond3A_144, %dma_wait3A_283, %dma_wait3A_284] : memref<1024x2x200x256xf32, #tpu.memory_space<hbm>> -> memref<1x1x200x256xf32, #tpu.memory_space<hbm>>
        %dma_wait3A_286 = tpu.memref_squeeze %dma_wait3A_285 : memref<1x1x200x256xf32, #tpu.memory_space<hbm>> -> memref<200x256xf32, #tpu.memory_space<hbm>>
        %dma_wait3A_287 = arith.constant 0 : i32
        %dma_wait3A_288 = arith.constant 0 : i32
        %dma_wait3A_289 = tpu.memref_slice %arg7[%cond3A, %dma_wait3A_287, %dma_wait3A_288] : memref<2x200x256xf32, #tpu.memory_space<vmem>> -> memref<1x200x256xf32, #tpu.memory_space<vmem>>
        %dma_wait3A_290 = tpu.memref_squeeze %dma_wait3A_289 : memref<1x200x256xf32, #tpu.memory_space<vmem>> -> memref<200x256xf32, #tpu.memory_space<vmem>>
        tpu.wait_dma2 semaphore(%dma_wait3A_282 : memref<!tpu.dma_semaphore, #tpu.memory_space<semaphore_mem>>) src(%dma_wait3A_290 : memref<200x256xf32, #tpu.memory_space<vmem>>) dst(%dma_wait3A_286 : memref<200x256xf32, #tpu.memory_space<hbm>>)
        %dma_wait3A_291 = arith.constant 0 : i32
        %dma_wait3A_292 = arith.constant 0 : i32
        %dma_wait3A_293 = tpu.memref_slice %arg7[%cond3A, %dma_wait3A_291, %dma_wait3A_292] : memref<2x200x256xf32, #tpu.memory_space<vmem>> -> memref<1x200x256xf32, #tpu.memory_space<vmem>>
        %dma_wait3A_294 = tpu.memref_squeeze %dma_wait3A_293 : memref<1x200x256xf32, #tpu.memory_space<vmem>> -> memref<200x256xf32, #tpu.memory_space<vmem>>
        %dma_wait3A_295 = arith.constant 0 : i32
        %dma_wait3A_296 = arith.constant 0 : i32
        %dma_wait3A_297 = tpu.memref_slice %arg4[%add3A_124, %cond3A_146, %dma_wait3A_295, %dma_wait3A_296] : memref<1024x2x200x256xf32, #tpu.memory_space<hbm>> -> memref<1x1x200x256xf32, #tpu.memory_space<hbm>>
        %dma_wait3A_298 = tpu.memref_squeeze %dma_wait3A_297 : memref<1x1x200x256xf32, #tpu.memory_space<hbm>> -> memref<200x256xf32, #tpu.memory_space<hbm>>
        %dma_wait3A_299 = tpu.memref_slice %arg10[%cond3A_147] : memref<2x!tpu.dma_semaphore, #tpu.memory_space<semaphore_mem>> -> memref<1x!tpu.dma_semaphore, #tpu.memory_space<semaphore_mem>>
        %dma_wait3A_300 = tpu.memref_squeeze %dma_wait3A_299 : memref<1x!tpu.dma_semaphore, #tpu.memory_space<semaphore_mem>> -> memref<!tpu.dma_semaphore, #tpu.memory_space<semaphore_mem>>
        %dma_wait3A_301 = arith.constant 0 : i32
        %dma_wait3A_302 = arith.constant 0 : i32
        %dma_wait3A_303 = tpu.memref_slice %arg4[%add3A_124, %cond3A_146, %dma_wait3A_301, %dma_wait3A_302] : memref<1024x2x200x256xf32, #tpu.memory_space<hbm>> -> memref<1x1x200x256xf32, #tpu.memory_space<hbm>>
        %dma_wait3A_304 = tpu.memref_squeeze %dma_wait3A_303 : memref<1x1x200x256xf32, #tpu.memory_space<hbm>> -> memref<200x256xf32, #tpu.memory_space<hbm>>
        %dma_wait3A_305 = arith.constant 0 : i32
        %dma_wait3A_306 = arith.constant 0 : i32
        %dma_wait3A_307 = tpu.memref_slice %arg7[%cond3A, %dma_wait3A_305, %dma_wait3A_306] : memref<2x200x256xf32, #tpu.memory_space<vmem>> -> memref<1x200x256xf32, #tpu.memory_space<vmem>>
        %dma_wait3A_308 = tpu.memref_squeeze %dma_wait3A_307 : memref<1x200x256xf32, #tpu.memory_space<vmem>> -> memref<200x256xf32, #tpu.memory_space<vmem>>
        tpu.wait_dma2 semaphore(%dma_wait3A_300 : memref<!tpu.dma_semaphore, #tpu.memory_space<semaphore_mem>>) src(%dma_wait3A_308 : memref<200x256xf32, #tpu.memory_space<vmem>>) dst(%dma_wait3A_304 : memref<200x256xf32, #tpu.memory_space<hbm>>)
      } else {
      }
      %parallel_loop3A = arith.constant 0 : i32
      %parallel_loop3A_150 = arith.constant 200 : i32
      %parallel_loop3A_151 = arith.constant 1 : i32
      scf.for %parallel_loop3A_273 = %parallel_loop3A to %parallel_loop3A_150 step %parallel_loop3A_151  : i32 {
        %parallel_loop3A_274 = vector.broadcast %parallel_loop3A_273 : i32 to vector<16xi32>
        %parallel_loop3A_275 = tpu.vector_load_idx %arg5[%parallel_loop3A_274] : memref<200xi32, #tpu.memory_space<vmem>>[vector<16xi32>], vector<16xi32>,
        %parallel_loop3A_276 = arith.constant 256 : i32
        %parallel_loop3A_277 = vector.broadcast %parallel_loop3A_276 : i32 to vector<16xi32>
        %parallel_loop3A_278 = arith.muli %parallel_loop3A_275, %parallel_loop3A_277 : vector<16xi32>
        %parallel_loop3A_279 = arith.constant 0 : i32
        %parallel_loop3A_280 = vector.broadcast %parallel_loop3A_279 : i32 to vector<16xi32>
        %parallel_loop3A_281 = arith.addi %iota3A, %parallel_loop3A_280 : vector<16xi32>
        %parallel_loop3A_282 = arith.addi %parallel_loop3A_278, %parallel_loop3A_281 : vector<16xi32>
        %parallel_loop3A_283 = tpu.vector_load_idx %arg8[%parallel_loop3A_282] : memref<26624xf32, #tpu.memory_space<vmem>>[vector<16xi32>], vector<16xf32>,
        %parallel_loop3A_284 = arith.constant 0 : i32
        %parallel_loop3A_285 = arith.index_cast %parallel_loop3A_284 : i32 to index
        %parallel_loop3A_286 = arith.index_cast %parallel_loop3A_273 : i32 to index
        %parallel_loop3A_287 = arith.constant 0 : index
        %parallel_loop3A_288 = tpu.vector_load %arg7[%parallel_loop3A_285, %parallel_loop3A_286, %parallel_loop3A_287] {strides = array<i32>} : memref<2x200x256xf32, #tpu.memory_space<vmem>>, vector<16xf32>,
        tpu.vector_store %arg7[%parallel_loop3A_285, %parallel_loop3A_286, %parallel_loop3A_287], %parallel_loop3A_283 {strides = array<i32>} : memref<2x200x256xf32, #tpu.memory_space<vmem>>, vector<16xf32>,
        %parallel_loop3A_289 = arith.constant 16 : i32
        %parallel_loop3A_290 = vector.broadcast %parallel_loop3A_289 : i32 to vector<16xi32>
        %parallel_loop3A_291 = arith.addi %iota3A, %parallel_loop3A_290 : vector<16xi32>
        %parallel_loop3A_292 = arith.addi %parallel_loop3A_278, %parallel_loop3A_291 : vector<16xi32>
        %parallel_loop3A_293 = tpu.vector_load_idx %arg8[%parallel_loop3A_292] : memref<26624xf32, #tpu.memory_space<vmem>>[vector<16xi32>], vector<16xf32>,
        %parallel_loop3A_294 = arith.constant 0 : i32
        %parallel_loop3A_295 = arith.index_cast %parallel_loop3A_294 : i32 to index
        %parallel_loop3A_296 = arith.index_cast %parallel_loop3A_273 : i32 to index
        %parallel_loop3A_297 = arith.constant 16 : index
        %parallel_loop3A_298 = tpu.vector_load %arg7[%parallel_loop3A_295, %parallel_loop3A_296, %parallel_loop3A_297] {strides = array<i32>} : memref<2x200x256xf32, #tpu.memory_space<vmem>>, vector<16xf32>,
        tpu.vector_store %arg7[%parallel_loop3A_295, %parallel_loop3A_296, %parallel_loop3A_297], %parallel_loop3A_293 {strides = array<i32>} : memref<2x200x256xf32, #tpu.memory_space<vmem>>, vector<16xf32>,
        %parallel_loop3A_299 = arith.constant 32 : i32
        %parallel_loop3A_300 = vector.broadcast %parallel_loop3A_299 : i32 to vector<16xi32>
        %parallel_loop3A_301 = arith.addi %iota3A, %parallel_loop3A_300 : vector<16xi32>
        %parallel_loop3A_302 = arith.addi %parallel_loop3A_278, %parallel_loop3A_301 : vector<16xi32>
        %parallel_loop3A_303 = tpu.vector_load_idx %arg8[%parallel_loop3A_302] : memref<26624xf32, #tpu.memory_space<vmem>>[vector<16xi32>], vector<16xf32>,
        %parallel_loop3A_304 = arith.constant 0 : i32
        %parallel_loop3A_305 = arith.index_cast %parallel_loop3A_304 : i32 to index
        %parallel_loop3A_306 = arith.index_cast %parallel_loop3A_273 : i32 to index
        %parallel_loop3A_307 = arith.constant 32 : index
        %parallel_loop3A_308 = tpu.vector_load %arg7[%parallel_loop3A_305, %parallel_loop3A_306, %parallel_loop3A_307] {strides = array<i32>} : memref<2x200x256xf32, #tpu.memory_space<vmem>>, vector<16xf32>,
        tpu.vector_store %arg7[%parallel_loop3A_305, %parallel_loop3A_306, %parallel_loop3A_307], %parallel_loop3A_303 {strides = array<i32>} : memref<2x200x256xf32, #tpu.memory_space<vmem>>, vector<16xf32>,
        %parallel_loop3A_309 = arith.constant 48 : i32
        %parallel_loop3A_310 = vector.broadcast %parallel_loop3A_309 : i32 to vector<16xi32>
        %parallel_loop3A_311 = arith.addi %iota3A, %parallel_loop3A_310 : vector<16xi32>
        %parallel_loop3A_312 = arith.addi %parallel_loop3A_278, %parallel_loop3A_311 : vector<16xi32>
        %parallel_loop3A_313 = tpu.vector_load_idx %arg8[%parallel_loop3A_312] : memref<26624xf32, #tpu.memory_space<vmem>>[vector<16xi32>], vector<16xf32>,
        %parallel_loop3A_314 = arith.constant 0 : i32
        %parallel_loop3A_315 = arith.index_cast %parallel_loop3A_314 : i32 to index
        %parallel_loop3A_316 = arith.index_cast %parallel_loop3A_273 : i32 to index
        %parallel_loop3A_317 = arith.constant 48 : index
        %parallel_loop3A_318 = tpu.vector_load %arg7[%parallel_loop3A_315, %parallel_loop3A_316, %parallel_loop3A_317] {strides = array<i32>} : memref<2x200x256xf32, #tpu.memory_space<vmem>>, vector<16xf32>,
        tpu.vector_store %arg7[%parallel_loop3A_315, %parallel_loop3A_316, %parallel_loop3A_317], %parallel_loop3A_313 {strides = array<i32>} : memref<2x200x256xf32, #tpu.memory_space<vmem>>, vector<16xf32>,
        %parallel_loop3A_319 = arith.constant 64 : i32
        %parallel_loop3A_320 = vector.broadcast %parallel_loop3A_319 : i32 to vector<16xi32>
        %parallel_loop3A_321 = arith.addi %iota3A, %parallel_loop3A_320 : vector<16xi32>
        %parallel_loop3A_322 = arith.addi %parallel_loop3A_278, %parallel_loop3A_321 : vector<16xi32>
        %parallel_loop3A_323 = tpu.vector_load_idx %arg8[%parallel_loop3A_322] : memref<26624xf32, #tpu.memory_space<vmem>>[vector<16xi32>], vector<16xf32>,
        %parallel_loop3A_324 = arith.constant 0 : i32
        %parallel_loop3A_325 = arith.index_cast %parallel_loop3A_324 : i32 to index
        %parallel_loop3A_326 = arith.index_cast %parallel_loop3A_273 : i32 to index
        %parallel_loop3A_327 = arith.constant 64 : index
        %parallel_loop3A_328 = tpu.vector_load %arg7[%parallel_loop3A_325, %parallel_loop3A_326, %parallel_loop3A_327] {strides = array<i32>} : memref<2x200x256xf32, #tpu.memory_space<vmem>>, vector<16xf32>,
        tpu.vector_store %arg7[%parallel_loop3A_325, %parallel_loop3A_326, %parallel_loop3A_327], %parallel_loop3A_323 {strides = array<i32>} : memref<2x200x256xf32, #tpu.memory_space<vmem>>, vector<16xf32>,
        %parallel_loop3A_329 = arith.constant 80 : i32
        %parallel_loop3A_330 = vector.broadcast %parallel_loop3A_329 : i32 to vector<16xi32>
        %parallel_loop3A_331 = arith.addi %iota3A, %parallel_loop3A_330 : vector<16xi32>
        %parallel_loop3A_332 = arith.addi %parallel_loop3A_278, %parallel_loop3A_331 : vector<16xi32>
        %parallel_loop3A_333 = tpu.vector_load_idx %arg8[%parallel_loop3A_332] : memref<26624xf32, #tpu.memory_space<vmem>>[vector<16xi32>], vector<16xf32>,
        %parallel_loop3A_334 = arith.constant 0 : i32
        %parallel_loop3A_335 = arith.index_cast %parallel_loop3A_334 : i32 to index
        %parallel_loop3A_336 = arith.index_cast %parallel_loop3A_273 : i32 to index
        %parallel_loop3A_337 = arith.constant 80 : index
        %parallel_loop3A_338 = tpu.vector_load %arg7[%parallel_loop3A_335, %parallel_loop3A_336, %parallel_loop3A_337] {strides = array<i32>} : memref<2x200x256xf32, #tpu.memory_space<vmem>>, vector<16xf32>,
        tpu.vector_store %arg7[%parallel_loop3A_335, %parallel_loop3A_336, %parallel_loop3A_337], %parallel_loop3A_333 {strides = array<i32>} : memref<2x200x256xf32, #tpu.memory_space<vmem>>, vector<16xf32>,
        %parallel_loop3A_339 = arith.constant 96 : i32
        %parallel_loop3A_340 = vector.broadcast %parallel_loop3A_339 : i32 to vector<16xi32>
        %parallel_loop3A_341 = arith.addi %iota3A, %parallel_loop3A_340 : vector<16xi32>
        %parallel_loop3A_342 = arith.addi %parallel_loop3A_278, %parallel_loop3A_341 : vector<16xi32>
        %parallel_loop3A_343 = tpu.vector_load_idx %arg8[%parallel_loop3A_342] : memref<26624xf32, #tpu.memory_space<vmem>>[vector<16xi32>], vector<16xf32>,
        %parallel_loop3A_344 = arith.constant 0 : i32
        %parallel_loop3A_345 = arith.index_cast %parallel_loop3A_344 : i32 to index
        %parallel_loop3A_346 = arith.index_cast %parallel_loop3A_273 : i32 to index
        %parallel_loop3A_347 = arith.constant 96 : index
        %parallel_loop3A_348 = tpu.vector_load %arg7[%parallel_loop3A_345, %parallel_loop3A_346, %parallel_loop3A_347] {strides = array<i32>} : memref<2x200x256xf32, #tpu.memory_space<vmem>>, vector<16xf32>,
        tpu.vector_store %arg7[%parallel_loop3A_345, %parallel_loop3A_346, %parallel_loop3A_347], %parallel_loop3A_343 {strides = array<i32>} : memref<2x200x256xf32, #tpu.memory_space<vmem>>, vector<16xf32>,
        %parallel_loop3A_349 = arith.constant 112 : i32
        %parallel_loop3A_350 = vector.broadcast %parallel_loop3A_349 : i32 to vector<16xi32>
        %parallel_loop3A_351 = arith.addi %iota3A, %parallel_loop3A_350 : vector<16xi32>
        %parallel_loop3A_352 = arith.addi %parallel_loop3A_278, %parallel_loop3A_351 : vector<16xi32>
        %parallel_loop3A_353 = tpu.vector_load_idx %arg8[%parallel_loop3A_352] : memref<26624xf32, #tpu.memory_space<vmem>>[vector<16xi32>], vector<16xf32>,
        %parallel_loop3A_354 = arith.constant 0 : i32
        %parallel_loop3A_355 = arith.index_cast %parallel_loop3A_354 : i32 to index
        %parallel_loop3A_356 = arith.index_cast %parallel_loop3A_273 : i32 to index
        %parallel_loop3A_357 = arith.constant 112 : index
        %parallel_loop3A_358 = tpu.vector_load %arg7[%parallel_loop3A_355, %parallel_loop3A_356, %parallel_loop3A_357] {strides = array<i32>} : memref<2x200x256xf32, #tpu.memory_space<vmem>>, vector<16xf32>,
        tpu.vector_store %arg7[%parallel_loop3A_355, %parallel_loop3A_356, %parallel_loop3A_357], %parallel_loop3A_353 {strides = array<i32>} : memref<2x200x256xf32, #tpu.memory_space<vmem>>, vector<16xf32>,
        %parallel_loop3A_359 = arith.constant 128 : i32
        %parallel_loop3A_360 = vector.broadcast %parallel_loop3A_359 : i32 to vector<16xi32>
        %parallel_loop3A_361 = arith.addi %iota3A, %parallel_loop3A_360 : vector<16xi32>
        %parallel_loop3A_362 = arith.addi %parallel_loop3A_278, %parallel_loop3A_361 : vector<16xi32>
        %parallel_loop3A_363 = tpu.vector_load_idx %arg8[%parallel_loop3A_362] : memref<26624xf32, #tpu.memory_space<vmem>>[vector<16xi32>], vector<16xf32>,
        %parallel_loop3A_364 = arith.constant 0 : i32
        %parallel_loop3A_365 = arith.index_cast %parallel_loop3A_364 : i32 to index
        %parallel_loop3A_366 = arith.index_cast %parallel_loop3A_273 : i32 to index
        %parallel_loop3A_367 = arith.constant 128 : index
        %parallel_loop3A_368 = tpu.vector_load %arg7[%parallel_loop3A_365, %parallel_loop3A_366, %parallel_loop3A_367] {strides = array<i32>} : memref<2x200x256xf32, #tpu.memory_space<vmem>>, vector<16xf32>,
        tpu.vector_store %arg7[%parallel_loop3A_365, %parallel_loop3A_366, %parallel_loop3A_367], %parallel_loop3A_363 {strides = array<i32>} : memref<2x200x256xf32, #tpu.memory_space<vmem>>, vector<16xf32>,
        %parallel_loop3A_369 = arith.constant 144 : i32
        %parallel_loop3A_370 = vector.broadcast %parallel_loop3A_369 : i32 to vector<16xi32>
        %parallel_loop3A_371 = arith.addi %iota3A, %parallel_loop3A_370 : vector<16xi32>
        %parallel_loop3A_372 = arith.addi %parallel_loop3A_278, %parallel_loop3A_371 : vector<16xi32>
        %parallel_loop3A_373 = tpu.vector_load_idx %arg8[%parallel_loop3A_372] : memref<26624xf32, #tpu.memory_space<vmem>>[vector<16xi32>], vector<16xf32>,
        %parallel_loop3A_374 = arith.constant 0 : i32
        %parallel_loop3A_375 = arith.index_cast %parallel_loop3A_374 : i32 to index
        %parallel_loop3A_376 = arith.index_cast %parallel_loop3A_273 : i32 to index
        %parallel_loop3A_377 = arith.constant 144 : index
        %parallel_loop3A_378 = tpu.vector_load %arg7[%parallel_loop3A_375, %parallel_loop3A_376, %parallel_loop3A_377] {strides = array<i32>} : memref<2x200x256xf32, #tpu.memory_space<vmem>>, vector<16xf32>,
        tpu.vector_store %arg7[%parallel_loop3A_375, %parallel_loop3A_376, %parallel_loop3A_377], %parallel_loop3A_373 {strides = array<i32>} : memref<2x200x256xf32, #tpu.memory_space<vmem>>, vector<16xf32>,
        %parallel_loop3A_379 = arith.constant 160 : i32
        %parallel_loop3A_380 = vector.broadcast %parallel_loop3A_379 : i32 to vector<16xi32>
        %parallel_loop3A_381 = arith.addi %iota3A, %parallel_loop3A_380 : vector<16xi32>
        %parallel_loop3A_382 = arith.addi %parallel_loop3A_278, %parallel_loop3A_381 : vector<16xi32>
        %parallel_loop3A_383 = tpu.vector_load_idx %arg8[%parallel_loop3A_382] : memref<26624xf32, #tpu.memory_space<vmem>>[vector<16xi32>], vector<16xf32>,
        %parallel_loop3A_384 = arith.constant 0 : i32
        %parallel_loop3A_385 = arith.index_cast %parallel_loop3A_384 : i32 to index
        %parallel_loop3A_386 = arith.index_cast %parallel_loop3A_273 : i32 to index
        %parallel_loop3A_387 = arith.constant 160 : index
        %parallel_loop3A_388 = tpu.vector_load %arg7[%parallel_loop3A_385, %parallel_loop3A_386, %parallel_loop3A_387] {strides = array<i32>} : memref<2x200x256xf32, #tpu.memory_space<vmem>>, vector<16xf32>,
        tpu.vector_store %arg7[%parallel_loop3A_385, %parallel_loop3A_386, %parallel_loop3A_387], %parallel_loop3A_383 {strides = array<i32>} : memref<2x200x256xf32, #tpu.memory_space<vmem>>, vector<16xf32>,
        %parallel_loop3A_389 = arith.constant 176 : i32
        %parallel_loop3A_390 = vector.broadcast %parallel_loop3A_389 : i32 to vector<16xi32>
        %parallel_loop3A_391 = arith.addi %iota3A, %parallel_loop3A_390 : vector<16xi32>
        %parallel_loop3A_392 = arith.addi %parallel_loop3A_278, %parallel_loop3A_391 : vector<16xi32>
        %parallel_loop3A_393 = tpu.vector_load_idx %arg8[%parallel_loop3A_392] : memref<26624xf32, #tpu.memory_space<vmem>>[vector<16xi32>], vector<16xf32>,
        %parallel_loop3A_394 = arith.constant 0 : i32
        %parallel_loop3A_395 = arith.index_cast %parallel_loop3A_394 : i32 to index
        %parallel_loop3A_396 = arith.index_cast %parallel_loop3A_273 : i32 to index
        %parallel_loop3A_397 = arith.constant 176 : index
        %parallel_loop3A_398 = tpu.vector_load %arg7[%parallel_loop3A_395, %parallel_loop3A_396, %parallel_loop3A_397] {strides = array<i32>} : memref<2x200x256xf32, #tpu.memory_space<vmem>>, vector<16xf32>,
        tpu.vector_store %arg7[%parallel_loop3A_395, %parallel_loop3A_396, %parallel_loop3A_397], %parallel_loop3A_393 {strides = array<i32>} : memref<2x200x256xf32, #tpu.memory_space<vmem>>, vector<16xf32>,
        %parallel_loop3A_399 = arith.constant 192 : i32
        %parallel_loop3A_400 = vector.broadcast %parallel_loop3A_399 : i32 to vector<16xi32>
        %parallel_loop3A_401 = arith.addi %iota3A, %parallel_loop3A_400 : vector<16xi32>
        %parallel_loop3A_402 = arith.addi %parallel_loop3A_278, %parallel_loop3A_401 : vector<16xi32>
        %parallel_loop3A_403 = tpu.vector_load_idx %arg8[%parallel_loop3A_402] : memref<26624xf32, #tpu.memory_space<vmem>>[vector<16xi32>], vector<16xf32>,
        %parallel_loop3A_404 = arith.constant 0 : i32
        %parallel_loop3A_405 = arith.index_cast %parallel_loop3A_404 : i32 to index
        %parallel_loop3A_406 = arith.index_cast %parallel_loop3A_273 : i32 to index
        %parallel_loop3A_407 = arith.constant 192 : index
        %parallel_loop3A_408 = tpu.vector_load %arg7[%parallel_loop3A_405, %parallel_loop3A_406, %parallel_loop3A_407] {strides = array<i32>} : memref<2x200x256xf32, #tpu.memory_space<vmem>>, vector<16xf32>,
        tpu.vector_store %arg7[%parallel_loop3A_405, %parallel_loop3A_406, %parallel_loop3A_407], %parallel_loop3A_403 {strides = array<i32>} : memref<2x200x256xf32, #tpu.memory_space<vmem>>, vector<16xf32>,
        %parallel_loop3A_409 = arith.constant 208 : i32
        %parallel_loop3A_410 = vector.broadcast %parallel_loop3A_409 : i32 to vector<16xi32>
        %parallel_loop3A_411 = arith.addi %iota3A, %parallel_loop3A_410 : vector<16xi32>
        %parallel_loop3A_412 = arith.addi %parallel_loop3A_278, %parallel_loop3A_411 : vector<16xi32>
        %parallel_loop3A_413 = tpu.vector_load_idx %arg8[%parallel_loop3A_412] : memref<26624xf32, #tpu.memory_space<vmem>>[vector<16xi32>], vector<16xf32>,
        %parallel_loop3A_414 = arith.constant 0 : i32
        %parallel_loop3A_415 = arith.index_cast %parallel_loop3A_414 : i32 to index
        %parallel_loop3A_416 = arith.index_cast %parallel_loop3A_273 : i32 to index
        %parallel_loop3A_417 = arith.constant 208 : index
        %parallel_loop3A_418 = tpu.vector_load %arg7[%parallel_loop3A_415, %parallel_loop3A_416, %parallel_loop3A_417] {strides = array<i32>} : memref<2x200x256xf32, #tpu.memory_space<vmem>>, vector<16xf32>,
        tpu.vector_store %arg7[%parallel_loop3A_415, %parallel_loop3A_416, %parallel_loop3A_417], %parallel_loop3A_413 {strides = array<i32>} : memref<2x200x256xf32, #tpu.memory_space<vmem>>, vector<16xf32>,
        %parallel_loop3A_419 = arith.constant 224 : i32
        %parallel_loop3A_420 = vector.broadcast %parallel_loop3A_419 : i32 to vector<16xi32>
        %parallel_loop3A_421 = arith.addi %iota3A, %parallel_loop3A_420 : vector<16xi32>
        %parallel_loop3A_422 = arith.addi %parallel_loop3A_278, %parallel_loop3A_421 : vector<16xi32>
        %parallel_loop3A_423 = tpu.vector_load_idx %arg8[%parallel_loop3A_422] : memref<26624xf32, #tpu.memory_space<vmem>>[vector<16xi32>], vector<16xf32>,
        %parallel_loop3A_424 = arith.constant 0 : i32
        %parallel_loop3A_425 = arith.index_cast %parallel_loop3A_424 : i32 to index
        %parallel_loop3A_426 = arith.index_cast %parallel_loop3A_273 : i32 to index
        %parallel_loop3A_427 = arith.constant 224 : index
        %parallel_loop3A_428 = tpu.vector_load %arg7[%parallel_loop3A_425, %parallel_loop3A_426, %parallel_loop3A_427] {strides = array<i32>} : memref<2x200x256xf32, #tpu.memory_space<vmem>>, vector<16xf32>,
        tpu.vector_store %arg7[%parallel_loop3A_425, %parallel_loop3A_426, %parallel_loop3A_427], %parallel_loop3A_423 {strides = array<i32>} : memref<2x200x256xf32, #tpu.memory_space<vmem>>, vector<16xf32>,
        %parallel_loop3A_429 = arith.constant 240 : i32
        %parallel_loop3A_430 = vector.broadcast %parallel_loop3A_429 : i32 to vector<16xi32>
        %parallel_loop3A_431 = arith.addi %iota3A, %parallel_loop3A_430 : vector<16xi32>
        %parallel_loop3A_432 = arith.addi %parallel_loop3A_278, %parallel_loop3A_431 : vector<16xi32>
        %parallel_loop3A_433 = tpu.vector_load_idx %arg8[%parallel_loop3A_432] : memref<26624xf32, #tpu.memory_space<vmem>>[vector<16xi32>], vector<16xf32>,
        %parallel_loop3A_434 = arith.constant 0 : i32
        %parallel_loop3A_435 = arith.index_cast %parallel_loop3A_434 : i32 to index
        %parallel_loop3A_436 = arith.index_cast %parallel_loop3A_273 : i32 to index
        %parallel_loop3A_437 = arith.constant 240 : index
        %parallel_loop3A_438 = tpu.vector_load %arg7[%parallel_loop3A_435, %parallel_loop3A_436, %parallel_loop3A_437] {strides = array<i32>} : memref<2x200x256xf32, #tpu.memory_space<vmem>>, vector<16xf32>,
        tpu.vector_store %arg7[%parallel_loop3A_435, %parallel_loop3A_436, %parallel_loop3A_437], %parallel_loop3A_433 {strides = array<i32>} : memref<2x200x256xf32, #tpu.memory_space<vmem>>, vector<16xf32>,
      } {sc.loop_unroll_factor = 4 : i64, sc.parallel_access}
      %dma_start3A_152 = arith.constant 0 : i32
      %dma_start3A_153 = arith.constant 0 : i32
      %dma_start3A_154 = arith.constant 0 : i32
      %dma_start3A_155 = arith.constant 0 : i32
      %dma_start3A_156 = arith.constant 0 : i32
      %dma_start3A_157 = tpu.memref_slice %arg7[%dma_start3A_152, %dma_start3A_155, %dma_start3A_156] : memref<2x200x256xf32, #tpu.memory_space<vmem>> -> memref<1x200x256xf32, #tpu.memory_space<vmem>>
      %dma_start3A_158 = tpu.memref_squeeze %dma_start3A_157 : memref<1x200x256xf32, #tpu.memory_space<vmem>> -> memref<200x256xf32, #tpu.memory_space<vmem>>
      %dma_start3A_159 = arith.constant 0 : i32
      %dma_start3A_160 = arith.constant 0 : i32
      %dma_start3A_161 = tpu.memref_slice %arg4[%add3A_124, %dma_start3A_153, %dma_start3A_159, %dma_start3A_160] : memref<1024x2x200x256xf32, #tpu.memory_space<hbm>> -> memref<1x1x200x256xf32, #tpu.memory_space<hbm>>
      %dma_start3A_162 = tpu.memref_squeeze %dma_start3A_161 : memref<1x1x200x256xf32, #tpu.memory_space<hbm>> -> memref<200x256xf32, #tpu.memory_space<hbm>>
      %dma_start3A_163 = tpu.memref_slice %arg10[%dma_start3A_154] : memref<2x!tpu.dma_semaphore, #tpu.memory_space<semaphore_mem>> -> memref<1x!tpu.dma_semaphore, #tpu.memory_space<semaphore_mem>>
      %dma_start3A_164 = tpu.memref_squeeze %dma_start3A_163 : memref<1x!tpu.dma_semaphore, #tpu.memory_space<semaphore_mem>> -> memref<!tpu.dma_semaphore, #tpu.memory_space<semaphore_mem>>
      %dma_start3A_165 = arith.constant 0 : i32
      %dma_start3A_166 = arith.constant 0 : i32
      %dma_start3A_167 = tpu.memref_slice %arg4[%add3A_124, %dma_start3A_153, %dma_start3A_165, %dma_start3A_166] : memref<1024x2x200x256xf32, #tpu.memory_space<hbm>> -> memref<1x1x200x256xf32, #tpu.memory_space<hbm>>
      %dma_start3A_168 = tpu.memref_squeeze %dma_start3A_167 : memref<1x1x200x256xf32, #tpu.memory_space<hbm>> -> memref<200x256xf32, #tpu.memory_space<hbm>>
      %dma_start3A_169 = arith.constant 0 : i32
      %dma_start3A_170 = arith.constant 0 : i32
      %dma_start3A_171 = tpu.memref_slice %arg7[%dma_start3A_152, %dma_start3A_169, %dma_start3A_170] : memref<2x200x256xf32, #tpu.memory_space<vmem>> -> memref<1x200x256xf32, #tpu.memory_space<vmem>>
      %dma_start3A_172 = tpu.memref_squeeze %dma_start3A_171 : memref<1x200x256xf32, #tpu.memory_space<vmem>> -> memref<200x256xf32, #tpu.memory_space<vmem>>
      tpu.enqueue_dma source(%dma_start3A_172 : memref<200x256xf32, #tpu.memory_space<vmem>>) target(%dma_start3A_168 : memref<200x256xf32, #tpu.memory_space<hbm>>) target_semaphore(%dma_start3A_164 : memref<!tpu.dma_semaphore, #tpu.memory_space<semaphore_mem>>)
      %dma_start3A_173 = arith.constant 0 : i32
      %dma_start3A_174 = arith.constant 1 : i32
      %dma_start3A_175 = arith.constant 0 : i32
      %dma_start3A_176 = arith.constant 0 : i32
      %dma_start3A_177 = arith.constant 0 : i32
      %dma_start3A_178 = tpu.memref_slice %arg7[%dma_start3A_173, %dma_start3A_176, %dma_start3A_177] : memref<2x200x256xf32, #tpu.memory_space<vmem>> -> memref<1x200x256xf32, #tpu.memory_space<vmem>>
      %dma_start3A_179 = tpu.memref_squeeze %dma_start3A_178 : memref<1x200x256xf32, #tpu.memory_space<vmem>> -> memref<200x256xf32, #tpu.memory_space<vmem>>
      %dma_start3A_180 = arith.constant 0 : i32
      %dma_start3A_181 = arith.constant 0 : i32
      %dma_start3A_182 = tpu.memref_slice %arg4[%add3A_124, %dma_start3A_174, %dma_start3A_180, %dma_start3A_181] : memref<1024x2x200x256xf32, #tpu.memory_space<hbm>> -> memref<1x1x200x256xf32, #tpu.memory_space<hbm>>
      %dma_start3A_183 = tpu.memref_squeeze %dma_start3A_182 : memref<1x1x200x256xf32, #tpu.memory_space<hbm>> -> memref<200x256xf32, #tpu.memory_space<hbm>>
      %dma_start3A_184 = tpu.memref_slice %arg10[%dma_start3A_175] : memref<2x!tpu.dma_semaphore, #tpu.memory_space<semaphore_mem>> -> memref<1x!tpu.dma_semaphore, #tpu.memory_space<semaphore_mem>>
      %dma_start3A_185 = tpu.memref_squeeze %dma_start3A_184 : memref<1x!tpu.dma_semaphore, #tpu.memory_space<semaphore_mem>> -> memref<!tpu.dma_semaphore, #tpu.memory_space<semaphore_mem>>
      %dma_start3A_186 = arith.constant 0 : i32
      %dma_start3A_187 = arith.constant 0 : i32
      %dma_start3A_188 = tpu.memref_slice %arg4[%add3A_124, %dma_start3A_174, %dma_start3A_186, %dma_start3A_187] : memref<1024x2x200x256xf32, #tpu.memory_space<hbm>> -> memref<1x1x200x256xf32, #tpu.memory_space<hbm>>
      %dma_start3A_189 = tpu.memref_squeeze %dma_start3A_188 : memref<1x1x200x256xf32, #tpu.memory_space<hbm>> -> memref<200x256xf32, #tpu.memory_space<hbm>>
      %dma_start3A_190 = arith.constant 0 : i32
      %dma_start3A_191 = arith.constant 0 : i32
      %dma_start3A_192 = tpu.memref_slice %arg7[%dma_start3A_173, %dma_start3A_190, %dma_start3A_191] : memref<2x200x256xf32, #tpu.memory_space<vmem>> -> memref<1x200x256xf32, #tpu.memory_space<vmem>>
      %dma_start3A_193 = tpu.memref_squeeze %dma_start3A_192 : memref<1x200x256xf32, #tpu.memory_space<vmem>> -> memref<200x256xf32, #tpu.memory_space<vmem>>
      tpu.enqueue_dma source(%dma_start3A_193 : memref<200x256xf32, #tpu.memory_space<vmem>>) target(%dma_start3A_189 : memref<200x256xf32, #tpu.memory_space<hbm>>) target_semaphore(%dma_start3A_185 : memref<!tpu.dma_semaphore, #tpu.memory_space<semaphore_mem>>)
      %mul3A_194 = arith.constant 2 : i32
      %mul3A_195 = arith.muli %scan3A_119, %mul3A_194 : i32
      %add3A_196 = arith.constant 1 : i32
      %add3A_197 = arith.addi %mul3A_195, %add3A_196 : i32
      %add3A_198 = arith.addi %mul3A_2, %add3A_197 : i32
      %mul3A_199 = arith.constant 200 : i32
      %mul3A_200 = arith.muli %add3A_198, %mul3A_199 : i32
      %dma_wait3A_201 = arith.constant 1 : i32
      %dma_wait3A_202 = tpu.memref_slice %arg3[%mul3A_200] : memref<204800xi32, #tpu.memory_space<hbm>> -> memref<200xi32, #tpu.memory_space<hbm>>
      %dma_wait3A_203 = tpu.memref_slice %arg9[%dma_wait3A_201] : memref<2x!tpu.dma_semaphore, #tpu.memory_space<semaphore_mem>> -> memref<1x!tpu.dma_semaphore, #tpu.memory_space<semaphore_mem>>
      %dma_wait3A_204 = tpu.memref_squeeze %dma_wait3A_203 : memref<1x!tpu.dma_semaphore, #tpu.memory_space<semaphore_mem>> -> memref<!tpu.dma_semaphore, #tpu.memory_space<semaphore_mem>>
      %dma_wait3A_205 = tpu.memref_slice %arg3[%mul3A_200] : memref<204800xi32, #tpu.memory_space<hbm>> -> memref<200xi32, #tpu.memory_space<hbm>>
      tpu.wait_dma2 semaphore(%dma_wait3A_204 : memref<!tpu.dma_semaphore, #tpu.memory_space<semaphore_mem>>) src(%dma_wait3A_205 : memref<200xi32, #tpu.memory_space<hbm>>) dst(%arg6 : memref<200xi32, #tpu.memory_space<vmem>>)
      %add3A_206 = arith.constant 1 : i32
      %add3A_207 = arith.addi %add3A_197, %add3A_206 : i32
      %min3A_208 = arith.constant 31 : i32
      %min3A_209 = arith.minsi %add3A_207, %min3A_208 : i32
      %add3A_210 = arith.addi %mul3A_2, %min3A_209 : i32
      %mul3A_211 = arith.constant 200 : i32
      %mul3A_212 = arith.muli %add3A_210, %mul3A_211 : i32
      %dma_start3A_213 = arith.constant 0 : i32
      %dma_start3A_214 = tpu.memref_slice %arg3[%mul3A_212] : memref<204800xi32, #tpu.memory_space<hbm>> -> memref<200xi32, #tpu.memory_space<hbm>>
      %dma_start3A_215 = tpu.memref_slice %arg9[%dma_start3A_213] : memref<2x!tpu.dma_semaphore, #tpu.memory_space<semaphore_mem>> -> memref<1x!tpu.dma_semaphore, #tpu.memory_space<semaphore_mem>>
      %dma_start3A_216 = tpu.memref_squeeze %dma_start3A_215 : memref<1x!tpu.dma_semaphore, #tpu.memory_space<semaphore_mem>> -> memref<!tpu.dma_semaphore, #tpu.memory_space<semaphore_mem>>
      %dma_start3A_217 = tpu.memref_slice %arg3[%mul3A_212] : memref<204800xi32, #tpu.memory_space<hbm>> -> memref<200xi32, #tpu.memory_space<hbm>>
      tpu.enqueue_dma source(%dma_start3A_217 : memref<200xi32, #tpu.memory_space<hbm>>) target(%arg5 : memref<200xi32, #tpu.memory_space<vmem>>) target_semaphore(%dma_start3A_216 : memref<!tpu.dma_semaphore, #tpu.memory_space<semaphore_mem>>)
      %gt3A_218 = arith.constant 0 : i32
      %gt3A_219 = arith.cmpi sgt, %scan3A_119, %gt3A_218 : i32
      %convert_element_type3A_220 = arith.extui %gt3A_219 : i1 to i32
      %cond3A_221 = arith.constant 1 : i32
      %cond3A_222 = arith.constant 0 : i32
      %cond3A_223 = arith.constant 1 : i32
      %cond3A_224 = arith.constant 1 : i32
      %cond3A_225 = arith.constant 1 : i32
      %cond3A_226 = arith.constant 0 : i32
      %cond3A_227 = arith.cmpi ne, %convert_element_type3A_220, %cond3A_226 : i32
      scf.if %cond3A_227 {
        %dma_wait3A_273 = arith.constant 0 : i32
        %dma_wait3A_274 = arith.constant 0 : i32
        %dma_wait3A_275 = tpu.memref_slice %arg7[%cond3A_221, %dma_wait3A_273, %dma_wait3A_274] : memref<2x200x256xf32, #tpu.memory_space<vmem>> -> memref<1x200x256xf32, #tpu.memory_space<vmem>>
        %dma_wait3A_276 = tpu.memref_squeeze %dma_wait3A_275 : memref<1x200x256xf32, #tpu.memory_space<vmem>> -> memref<200x256xf32, #tpu.memory_space<vmem>>
        %dma_wait3A_277 = arith.constant 0 : i32
        %dma_wait3A_278 = arith.constant 0 : i32
        %dma_wait3A_279 = tpu.memref_slice %arg4[%add3A_198, %cond3A_222, %dma_wait3A_277, %dma_wait3A_278] : memref<1024x2x200x256xf32, #tpu.memory_space<hbm>> -> memref<1x1x200x256xf32, #tpu.memory_space<hbm>>
        %dma_wait3A_280 = tpu.memref_squeeze %dma_wait3A_279 : memref<1x1x200x256xf32, #tpu.memory_space<hbm>> -> memref<200x256xf32, #tpu.memory_space<hbm>>
        %dma_wait3A_281 = tpu.memref_slice %arg10[%cond3A_223] : memref<2x!tpu.dma_semaphore, #tpu.memory_space<semaphore_mem>> -> memref<1x!tpu.dma_semaphore, #tpu.memory_space<semaphore_mem>>
        %dma_wait3A_282 = tpu.memref_squeeze %dma_wait3A_281 : memref<1x!tpu.dma_semaphore, #tpu.memory_space<semaphore_mem>> -> memref<!tpu.dma_semaphore, #tpu.memory_space<semaphore_mem>>
        %dma_wait3A_283 = arith.constant 0 : i32
        %dma_wait3A_284 = arith.constant 0 : i32
        %dma_wait3A_285 = tpu.memref_slice %arg4[%add3A_198, %cond3A_222, %dma_wait3A_283, %dma_wait3A_284] : memref<1024x2x200x256xf32, #tpu.memory_space<hbm>> -> memref<1x1x200x256xf32, #tpu.memory_space<hbm>>
        %dma_wait3A_286 = tpu.memref_squeeze %dma_wait3A_285 : memref<1x1x200x256xf32, #tpu.memory_space<hbm>> -> memref<200x256xf32, #tpu.memory_space<hbm>>
        %dma_wait3A_287 = arith.constant 0 : i32
        %dma_wait3A_288 = arith.constant 0 : i32
        %dma_wait3A_289 = tpu.memref_slice %arg7[%cond3A_221, %dma_wait3A_287, %dma_wait3A_288] : memref<2x200x256xf32, #tpu.memory_space<vmem>> -> memref<1x200x256xf32, #tpu.memory_space<vmem>>
        %dma_wait3A_290 = tpu.memref_squeeze %dma_wait3A_289 : memref<1x200x256xf32, #tpu.memory_space<vmem>> -> memref<200x256xf32, #tpu.memory_space<vmem>>
        tpu.wait_dma2 semaphore(%dma_wait3A_282 : memref<!tpu.dma_semaphore, #tpu.memory_space<semaphore_mem>>) src(%dma_wait3A_290 : memref<200x256xf32, #tpu.memory_space<vmem>>) dst(%dma_wait3A_286 : memref<200x256xf32, #tpu.memory_space<hbm>>)
        %dma_wait3A_291 = arith.constant 0 : i32
        %dma_wait3A_292 = arith.constant 0 : i32
        %dma_wait3A_293 = tpu.memref_slice %arg7[%cond3A_221, %dma_wait3A_291, %dma_wait3A_292] : memref<2x200x256xf32, #tpu.memory_space<vmem>> -> memref<1x200x256xf32, #tpu.memory_space<vmem>>
        %dma_wait3A_294 = tpu.memref_squeeze %dma_wait3A_293 : memref<1x200x256xf32, #tpu.memory_space<vmem>> -> memref<200x256xf32, #tpu.memory_space<vmem>>
        %dma_wait3A_295 = arith.constant 0 : i32
        %dma_wait3A_296 = arith.constant 0 : i32
        %dma_wait3A_297 = tpu.memref_slice %arg4[%add3A_198, %cond3A_224, %dma_wait3A_295, %dma_wait3A_296] : memref<1024x2x200x256xf32, #tpu.memory_space<hbm>> -> memref<1x1x200x256xf32, #tpu.memory_space<hbm>>
        %dma_wait3A_298 = tpu.memref_squeeze %dma_wait3A_297 : memref<1x1x200x256xf32, #tpu.memory_space<hbm>> -> memref<200x256xf32, #tpu.memory_space<hbm>>
        %dma_wait3A_299 = tpu.memref_slice %arg10[%cond3A_225] : memref<2x!tpu.dma_semaphore, #tpu.memory_space<semaphore_mem>> -> memref<1x!tpu.dma_semaphore, #tpu.memory_space<semaphore_mem>>
        %dma_wait3A_300 = tpu.memref_squeeze %dma_wait3A_299 : memref<1x!tpu.dma_semaphore, #tpu.memory_space<semaphore_mem>> -> memref<!tpu.dma_semaphore, #tpu.memory_space<semaphore_mem>>
        %dma_wait3A_301 = arith.constant 0 : i32
        %dma_wait3A_302 = arith.constant 0 : i32
        %dma_wait3A_303 = tpu.memref_slice %arg4[%add3A_198, %cond3A_224, %dma_wait3A_301, %dma_wait3A_302] : memref<1024x2x200x256xf32, #tpu.memory_space<hbm>> -> memref<1x1x200x256xf32, #tpu.memory_space<hbm>>
        %dma_wait3A_304 = tpu.memref_squeeze %dma_wait3A_303 : memref<1x1x200x256xf32, #tpu.memory_space<hbm>> -> memref<200x256xf32, #tpu.memory_space<hbm>>
        %dma_wait3A_305 = arith.constant 0 : i32
        %dma_wait3A_306 = arith.constant 0 : i32
        %dma_wait3A_307 = tpu.memref_slice %arg7[%cond3A_221, %dma_wait3A_305, %dma_wait3A_306] : memref<2x200x256xf32, #tpu.memory_space<vmem>> -> memref<1x200x256xf32, #tpu.memory_space<vmem>>
        %dma_wait3A_308 = tpu.memref_squeeze %dma_wait3A_307 : memref<1x200x256xf32, #tpu.memory_space<vmem>> -> memref<200x256xf32, #tpu.memory_space<vmem>>
        tpu.wait_dma2 semaphore(%dma_wait3A_300 : memref<!tpu.dma_semaphore, #tpu.memory_space<semaphore_mem>>) src(%dma_wait3A_308 : memref<200x256xf32, #tpu.memory_space<vmem>>) dst(%dma_wait3A_304 : memref<200x256xf32, #tpu.memory_space<hbm>>)
      } else {
      }
      %parallel_loop3A_228 = arith.constant 0 : i32
      %parallel_loop3A_229 = arith.constant 200 : i32
      %parallel_loop3A_230 = arith.constant 1 : i32
      scf.for %parallel_loop3A_273 = %parallel_loop3A_228 to %parallel_loop3A_229 step %parallel_loop3A_230  : i32 {
        %parallel_loop3A_274 = vector.broadcast %parallel_loop3A_273 : i32 to vector<16xi32>
        %parallel_loop3A_275 = tpu.vector_load_idx %arg6[%parallel_loop3A_274] : memref<200xi32, #tpu.memory_space<vmem>>[vector<16xi32>], vector<16xi32>,
        %parallel_loop3A_276 = arith.constant 256 : i32
        %parallel_loop3A_277 = vector.broadcast %parallel_loop3A_276 : i32 to vector<16xi32>
        %parallel_loop3A_278 = arith.muli %parallel_loop3A_275, %parallel_loop3A_277 : vector<16xi32>
        %parallel_loop3A_279 = arith.constant 0 : i32
        %parallel_loop3A_280 = vector.broadcast %parallel_loop3A_279 : i32 to vector<16xi32>
        %parallel_loop3A_281 = arith.addi %iota3A, %parallel_loop3A_280 : vector<16xi32>
        %parallel_loop3A_282 = arith.addi %parallel_loop3A_278, %parallel_loop3A_281 : vector<16xi32>
        %parallel_loop3A_283 = tpu.vector_load_idx %arg8[%parallel_loop3A_282] : memref<26624xf32, #tpu.memory_space<vmem>>[vector<16xi32>], vector<16xf32>,
        %parallel_loop3A_284 = arith.constant 1 : i32
        %parallel_loop3A_285 = arith.index_cast %parallel_loop3A_284 : i32 to index
        %parallel_loop3A_286 = arith.index_cast %parallel_loop3A_273 : i32 to index
        %parallel_loop3A_287 = arith.constant 0 : index
        %parallel_loop3A_288 = tpu.vector_load %arg7[%parallel_loop3A_285, %parallel_loop3A_286, %parallel_loop3A_287] {strides = array<i32>} : memref<2x200x256xf32, #tpu.memory_space<vmem>>, vector<16xf32>,
        tpu.vector_store %arg7[%parallel_loop3A_285, %parallel_loop3A_286, %parallel_loop3A_287], %parallel_loop3A_283 {strides = array<i32>} : memref<2x200x256xf32, #tpu.memory_space<vmem>>, vector<16xf32>,
        %parallel_loop3A_289 = arith.constant 16 : i32
        %parallel_loop3A_290 = vector.broadcast %parallel_loop3A_289 : i32 to vector<16xi32>
        %parallel_loop3A_291 = arith.addi %iota3A, %parallel_loop3A_290 : vector<16xi32>
        %parallel_loop3A_292 = arith.addi %parallel_loop3A_278, %parallel_loop3A_291 : vector<16xi32>
        %parallel_loop3A_293 = tpu.vector_load_idx %arg8[%parallel_loop3A_292] : memref<26624xf32, #tpu.memory_space<vmem>>[vector<16xi32>], vector<16xf32>,
        %parallel_loop3A_294 = arith.constant 1 : i32
        %parallel_loop3A_295 = arith.index_cast %parallel_loop3A_294 : i32 to index
        %parallel_loop3A_296 = arith.index_cast %parallel_loop3A_273 : i32 to index
        %parallel_loop3A_297 = arith.constant 16 : index
        %parallel_loop3A_298 = tpu.vector_load %arg7[%parallel_loop3A_295, %parallel_loop3A_296, %parallel_loop3A_297] {strides = array<i32>} : memref<2x200x256xf32, #tpu.memory_space<vmem>>, vector<16xf32>,
        tpu.vector_store %arg7[%parallel_loop3A_295, %parallel_loop3A_296, %parallel_loop3A_297], %parallel_loop3A_293 {strides = array<i32>} : memref<2x200x256xf32, #tpu.memory_space<vmem>>, vector<16xf32>,
        %parallel_loop3A_299 = arith.constant 32 : i32
        %parallel_loop3A_300 = vector.broadcast %parallel_loop3A_299 : i32 to vector<16xi32>
        %parallel_loop3A_301 = arith.addi %iota3A, %parallel_loop3A_300 : vector<16xi32>
        %parallel_loop3A_302 = arith.addi %parallel_loop3A_278, %parallel_loop3A_301 : vector<16xi32>
        %parallel_loop3A_303 = tpu.vector_load_idx %arg8[%parallel_loop3A_302] : memref<26624xf32, #tpu.memory_space<vmem>>[vector<16xi32>], vector<16xf32>,
        %parallel_loop3A_304 = arith.constant 1 : i32
        %parallel_loop3A_305 = arith.index_cast %parallel_loop3A_304 : i32 to index
        %parallel_loop3A_306 = arith.index_cast %parallel_loop3A_273 : i32 to index
        %parallel_loop3A_307 = arith.constant 32 : index
        %parallel_loop3A_308 = tpu.vector_load %arg7[%parallel_loop3A_305, %parallel_loop3A_306, %parallel_loop3A_307] {strides = array<i32>} : memref<2x200x256xf32, #tpu.memory_space<vmem>>, vector<16xf32>,
        tpu.vector_store %arg7[%parallel_loop3A_305, %parallel_loop3A_306, %parallel_loop3A_307], %parallel_loop3A_303 {strides = array<i32>} : memref<2x200x256xf32, #tpu.memory_space<vmem>>, vector<16xf32>,
        %parallel_loop3A_309 = arith.constant 48 : i32
        %parallel_loop3A_310 = vector.broadcast %parallel_loop3A_309 : i32 to vector<16xi32>
        %parallel_loop3A_311 = arith.addi %iota3A, %parallel_loop3A_310 : vector<16xi32>
        %parallel_loop3A_312 = arith.addi %parallel_loop3A_278, %parallel_loop3A_311 : vector<16xi32>
        %parallel_loop3A_313 = tpu.vector_load_idx %arg8[%parallel_loop3A_312] : memref<26624xf32, #tpu.memory_space<vmem>>[vector<16xi32>], vector<16xf32>,
        %parallel_loop3A_314 = arith.constant 1 : i32
        %parallel_loop3A_315 = arith.index_cast %parallel_loop3A_314 : i32 to index
        %parallel_loop3A_316 = arith.index_cast %parallel_loop3A_273 : i32 to index
        %parallel_loop3A_317 = arith.constant 48 : index
        %parallel_loop3A_318 = tpu.vector_load %arg7[%parallel_loop3A_315, %parallel_loop3A_316, %parallel_loop3A_317] {strides = array<i32>} : memref<2x200x256xf32, #tpu.memory_space<vmem>>, vector<16xf32>,
        tpu.vector_store %arg7[%parallel_loop3A_315, %parallel_loop3A_316, %parallel_loop3A_317], %parallel_loop3A_313 {strides = array<i32>} : memref<2x200x256xf32, #tpu.memory_space<vmem>>, vector<16xf32>,
        %parallel_loop3A_319 = arith.constant 64 : i32
        %parallel_loop3A_320 = vector.broadcast %parallel_loop3A_319 : i32 to vector<16xi32>
        %parallel_loop3A_321 = arith.addi %iota3A, %parallel_loop3A_320 : vector<16xi32>
        %parallel_loop3A_322 = arith.addi %parallel_loop3A_278, %parallel_loop3A_321 : vector<16xi32>
        %parallel_loop3A_323 = tpu.vector_load_idx %arg8[%parallel_loop3A_322] : memref<26624xf32, #tpu.memory_space<vmem>>[vector<16xi32>], vector<16xf32>,
        %parallel_loop3A_324 = arith.constant 1 : i32
        %parallel_loop3A_325 = arith.index_cast %parallel_loop3A_324 : i32 to index
        %parallel_loop3A_326 = arith.index_cast %parallel_loop3A_273 : i32 to index
        %parallel_loop3A_327 = arith.constant 64 : index
        %parallel_loop3A_328 = tpu.vector_load %arg7[%parallel_loop3A_325, %parallel_loop3A_326, %parallel_loop3A_327] {strides = array<i32>} : memref<2x200x256xf32, #tpu.memory_space<vmem>>, vector<16xf32>,
        tpu.vector_store %arg7[%parallel_loop3A_325, %parallel_loop3A_326, %parallel_loop3A_327], %parallel_loop3A_323 {strides = array<i32>} : memref<2x200x256xf32, #tpu.memory_space<vmem>>, vector<16xf32>,
        %parallel_loop3A_329 = arith.constant 80 : i32
        %parallel_loop3A_330 = vector.broadcast %parallel_loop3A_329 : i32 to vector<16xi32>
        %parallel_loop3A_331 = arith.addi %iota3A, %parallel_loop3A_330 : vector<16xi32>
        %parallel_loop3A_332 = arith.addi %parallel_loop3A_278, %parallel_loop3A_331 : vector<16xi32>
        %parallel_loop3A_333 = tpu.vector_load_idx %arg8[%parallel_loop3A_332] : memref<26624xf32, #tpu.memory_space<vmem>>[vector<16xi32>], vector<16xf32>,
        %parallel_loop3A_334 = arith.constant 1 : i32
        %parallel_loop3A_335 = arith.index_cast %parallel_loop3A_334 : i32 to index
        %parallel_loop3A_336 = arith.index_cast %parallel_loop3A_273 : i32 to index
        %parallel_loop3A_337 = arith.constant 80 : index
        %parallel_loop3A_338 = tpu.vector_load %arg7[%parallel_loop3A_335, %parallel_loop3A_336, %parallel_loop3A_337] {strides = array<i32>} : memref<2x200x256xf32, #tpu.memory_space<vmem>>, vector<16xf32>,
        tpu.vector_store %arg7[%parallel_loop3A_335, %parallel_loop3A_336, %parallel_loop3A_337], %parallel_loop3A_333 {strides = array<i32>} : memref<2x200x256xf32, #tpu.memory_space<vmem>>, vector<16xf32>,
        %parallel_loop3A_339 = arith.constant 96 : i32
        %parallel_loop3A_340 = vector.broadcast %parallel_loop3A_339 : i32 to vector<16xi32>
        %parallel_loop3A_341 = arith.addi %iota3A, %parallel_loop3A_340 : vector<16xi32>
        %parallel_loop3A_342 = arith.addi %parallel_loop3A_278, %parallel_loop3A_341 : vector<16xi32>
        %parallel_loop3A_343 = tpu.vector_load_idx %arg8[%parallel_loop3A_342] : memref<26624xf32, #tpu.memory_space<vmem>>[vector<16xi32>], vector<16xf32>,
        %parallel_loop3A_344 = arith.constant 1 : i32
        %parallel_loop3A_345 = arith.index_cast %parallel_loop3A_344 : i32 to index
        %parallel_loop3A_346 = arith.index_cast %parallel_loop3A_273 : i32 to index
        %parallel_loop3A_347 = arith.constant 96 : index
        %parallel_loop3A_348 = tpu.vector_load %arg7[%parallel_loop3A_345, %parallel_loop3A_346, %parallel_loop3A_347] {strides = array<i32>} : memref<2x200x256xf32, #tpu.memory_space<vmem>>, vector<16xf32>,
        tpu.vector_store %arg7[%parallel_loop3A_345, %parallel_loop3A_346, %parallel_loop3A_347], %parallel_loop3A_343 {strides = array<i32>} : memref<2x200x256xf32, #tpu.memory_space<vmem>>, vector<16xf32>,
        %parallel_loop3A_349 = arith.constant 112 : i32
        %parallel_loop3A_350 = vector.broadcast %parallel_loop3A_349 : i32 to vector<16xi32>
        %parallel_loop3A_351 = arith.addi %iota3A, %parallel_loop3A_350 : vector<16xi32>
        %parallel_loop3A_352 = arith.addi %parallel_loop3A_278, %parallel_loop3A_351 : vector<16xi32>
        %parallel_loop3A_353 = tpu.vector_load_idx %arg8[%parallel_loop3A_352] : memref<26624xf32, #tpu.memory_space<vmem>>[vector<16xi32>], vector<16xf32>,
        %parallel_loop3A_354 = arith.constant 1 : i32
        %parallel_loop3A_355 = arith.index_cast %parallel_loop3A_354 : i32 to index
        %parallel_loop3A_356 = arith.index_cast %parallel_loop3A_273 : i32 to index
        %parallel_loop3A_357 = arith.constant 112 : index
        %parallel_loop3A_358 = tpu.vector_load %arg7[%parallel_loop3A_355, %parallel_loop3A_356, %parallel_loop3A_357] {strides = array<i32>} : memref<2x200x256xf32, #tpu.memory_space<vmem>>, vector<16xf32>,
        tpu.vector_store %arg7[%parallel_loop3A_355, %parallel_loop3A_356, %parallel_loop3A_357], %parallel_loop3A_353 {strides = array<i32>} : memref<2x200x256xf32, #tpu.memory_space<vmem>>, vector<16xf32>,
        %parallel_loop3A_359 = arith.constant 128 : i32
        %parallel_loop3A_360 = vector.broadcast %parallel_loop3A_359 : i32 to vector<16xi32>
        %parallel_loop3A_361 = arith.addi %iota3A, %parallel_loop3A_360 : vector<16xi32>
        %parallel_loop3A_362 = arith.addi %parallel_loop3A_278, %parallel_loop3A_361 : vector<16xi32>
        %parallel_loop3A_363 = tpu.vector_load_idx %arg8[%parallel_loop3A_362] : memref<26624xf32, #tpu.memory_space<vmem>>[vector<16xi32>], vector<16xf32>,
        %parallel_loop3A_364 = arith.constant 1 : i32
        %parallel_loop3A_365 = arith.index_cast %parallel_loop3A_364 : i32 to index
        %parallel_loop3A_366 = arith.index_cast %parallel_loop3A_273 : i32 to index
        %parallel_loop3A_367 = arith.constant 128 : index
        %parallel_loop3A_368 = tpu.vector_load %arg7[%parallel_loop3A_365, %parallel_loop3A_366, %parallel_loop3A_367] {strides = array<i32>} : memref<2x200x256xf32, #tpu.memory_space<vmem>>, vector<16xf32>,
        tpu.vector_store %arg7[%parallel_loop3A_365, %parallel_loop3A_366, %parallel_loop3A_367], %parallel_loop3A_363 {strides = array<i32>} : memref<2x200x256xf32, #tpu.memory_space<vmem>>, vector<16xf32>,
        %parallel_loop3A_369 = arith.constant 144 : i32
        %parallel_loop3A_370 = vector.broadcast %parallel_loop3A_369 : i32 to vector<16xi32>
        %parallel_loop3A_371 = arith.addi %iota3A, %parallel_loop3A_370 : vector<16xi32>
        %parallel_loop3A_372 = arith.addi %parallel_loop3A_278, %parallel_loop3A_371 : vector<16xi32>
        %parallel_loop3A_373 = tpu.vector_load_idx %arg8[%parallel_loop3A_372] : memref<26624xf32, #tpu.memory_space<vmem>>[vector<16xi32>], vector<16xf32>,
        %parallel_loop3A_374 = arith.constant 1 : i32
        %parallel_loop3A_375 = arith.index_cast %parallel_loop3A_374 : i32 to index
        %parallel_loop3A_376 = arith.index_cast %parallel_loop3A_273 : i32 to index
        %parallel_loop3A_377 = arith.constant 144 : index
        %parallel_loop3A_378 = tpu.vector_load %arg7[%parallel_loop3A_375, %parallel_loop3A_376, %parallel_loop3A_377] {strides = array<i32>} : memref<2x200x256xf32, #tpu.memory_space<vmem>>, vector<16xf32>,
        tpu.vector_store %arg7[%parallel_loop3A_375, %parallel_loop3A_376, %parallel_loop3A_377], %parallel_loop3A_373 {strides = array<i32>} : memref<2x200x256xf32, #tpu.memory_space<vmem>>, vector<16xf32>,
        %parallel_loop3A_379 = arith.constant 160 : i32
        %parallel_loop3A_380 = vector.broadcast %parallel_loop3A_379 : i32 to vector<16xi32>
        %parallel_loop3A_381 = arith.addi %iota3A, %parallel_loop3A_380 : vector<16xi32>
        %parallel_loop3A_382 = arith.addi %parallel_loop3A_278, %parallel_loop3A_381 : vector<16xi32>
        %parallel_loop3A_383 = tpu.vector_load_idx %arg8[%parallel_loop3A_382] : memref<26624xf32, #tpu.memory_space<vmem>>[vector<16xi32>], vector<16xf32>,
        %parallel_loop3A_384 = arith.constant 1 : i32
        %parallel_loop3A_385 = arith.index_cast %parallel_loop3A_384 : i32 to index
        %parallel_loop3A_386 = arith.index_cast %parallel_loop3A_273 : i32 to index
        %parallel_loop3A_387 = arith.constant 160 : index
        %parallel_loop3A_388 = tpu.vector_load %arg7[%parallel_loop3A_385, %parallel_loop3A_386, %parallel_loop3A_387] {strides = array<i32>} : memref<2x200x256xf32, #tpu.memory_space<vmem>>, vector<16xf32>,
        tpu.vector_store %arg7[%parallel_loop3A_385, %parallel_loop3A_386, %parallel_loop3A_387], %parallel_loop3A_383 {strides = array<i32>} : memref<2x200x256xf32, #tpu.memory_space<vmem>>, vector<16xf32>,
        %parallel_loop3A_389 = arith.constant 176 : i32
        %parallel_loop3A_390 = vector.broadcast %parallel_loop3A_389 : i32 to vector<16xi32>
        %parallel_loop3A_391 = arith.addi %iota3A, %parallel_loop3A_390 : vector<16xi32>
        %parallel_loop3A_392 = arith.addi %parallel_loop3A_278, %parallel_loop3A_391 : vector<16xi32>
        %parallel_loop3A_393 = tpu.vector_load_idx %arg8[%parallel_loop3A_392] : memref<26624xf32, #tpu.memory_space<vmem>>[vector<16xi32>], vector<16xf32>,
        %parallel_loop3A_394 = arith.constant 1 : i32
        %parallel_loop3A_395 = arith.index_cast %parallel_loop3A_394 : i32 to index
        %parallel_loop3A_396 = arith.index_cast %parallel_loop3A_273 : i32 to index
        %parallel_loop3A_397 = arith.constant 176 : index
        %parallel_loop3A_398 = tpu.vector_load %arg7[%parallel_loop3A_395, %parallel_loop3A_396, %parallel_loop3A_397] {strides = array<i32>} : memref<2x200x256xf32, #tpu.memory_space<vmem>>, vector<16xf32>,
        tpu.vector_store %arg7[%parallel_loop3A_395, %parallel_loop3A_396, %parallel_loop3A_397], %parallel_loop3A_393 {strides = array<i32>} : memref<2x200x256xf32, #tpu.memory_space<vmem>>, vector<16xf32>,
        %parallel_loop3A_399 = arith.constant 192 : i32
        %parallel_loop3A_400 = vector.broadcast %parallel_loop3A_399 : i32 to vector<16xi32>
        %parallel_loop3A_401 = arith.addi %iota3A, %parallel_loop3A_400 : vector<16xi32>
        %parallel_loop3A_402 = arith.addi %parallel_loop3A_278, %parallel_loop3A_401 : vector<16xi32>
        %parallel_loop3A_403 = tpu.vector_load_idx %arg8[%parallel_loop3A_402] : memref<26624xf32, #tpu.memory_space<vmem>>[vector<16xi32>], vector<16xf32>,
        %parallel_loop3A_404 = arith.constant 1 : i32
        %parallel_loop3A_405 = arith.index_cast %parallel_loop3A_404 : i32 to index
        %parallel_loop3A_406 = arith.index_cast %parallel_loop3A_273 : i32 to index
        %parallel_loop3A_407 = arith.constant 192 : index
        %parallel_loop3A_408 = tpu.vector_load %arg7[%parallel_loop3A_405, %parallel_loop3A_406, %parallel_loop3A_407] {strides = array<i32>} : memref<2x200x256xf32, #tpu.memory_space<vmem>>, vector<16xf32>,
        tpu.vector_store %arg7[%parallel_loop3A_405, %parallel_loop3A_406, %parallel_loop3A_407], %parallel_loop3A_403 {strides = array<i32>} : memref<2x200x256xf32, #tpu.memory_space<vmem>>, vector<16xf32>,
        %parallel_loop3A_409 = arith.constant 208 : i32
        %parallel_loop3A_410 = vector.broadcast %parallel_loop3A_409 : i32 to vector<16xi32>
        %parallel_loop3A_411 = arith.addi %iota3A, %parallel_loop3A_410 : vector<16xi32>
        %parallel_loop3A_412 = arith.addi %parallel_loop3A_278, %parallel_loop3A_411 : vector<16xi32>
        %parallel_loop3A_413 = tpu.vector_load_idx %arg8[%parallel_loop3A_412] : memref<26624xf32, #tpu.memory_space<vmem>>[vector<16xi32>], vector<16xf32>,
        %parallel_loop3A_414 = arith.constant 1 : i32
        %parallel_loop3A_415 = arith.index_cast %parallel_loop3A_414 : i32 to index
        %parallel_loop3A_416 = arith.index_cast %parallel_loop3A_273 : i32 to index
        %parallel_loop3A_417 = arith.constant 208 : index
        %parallel_loop3A_418 = tpu.vector_load %arg7[%parallel_loop3A_415, %parallel_loop3A_416, %parallel_loop3A_417] {strides = array<i32>} : memref<2x200x256xf32, #tpu.memory_space<vmem>>, vector<16xf32>,
        tpu.vector_store %arg7[%parallel_loop3A_415, %parallel_loop3A_416, %parallel_loop3A_417], %parallel_loop3A_413 {strides = array<i32>} : memref<2x200x256xf32, #tpu.memory_space<vmem>>, vector<16xf32>,
        %parallel_loop3A_419 = arith.constant 224 : i32
        %parallel_loop3A_420 = vector.broadcast %parallel_loop3A_419 : i32 to vector<16xi32>
        %parallel_loop3A_421 = arith.addi %iota3A, %parallel_loop3A_420 : vector<16xi32>
        %parallel_loop3A_422 = arith.addi %parallel_loop3A_278, %parallel_loop3A_421 : vector<16xi32>
        %parallel_loop3A_423 = tpu.vector_load_idx %arg8[%parallel_loop3A_422] : memref<26624xf32, #tpu.memory_space<vmem>>[vector<16xi32>], vector<16xf32>,
        %parallel_loop3A_424 = arith.constant 1 : i32
        %parallel_loop3A_425 = arith.index_cast %parallel_loop3A_424 : i32 to index
        %parallel_loop3A_426 = arith.index_cast %parallel_loop3A_273 : i32 to index
        %parallel_loop3A_427 = arith.constant 224 : index
        %parallel_loop3A_428 = tpu.vector_load %arg7[%parallel_loop3A_425, %parallel_loop3A_426, %parallel_loop3A_427] {strides = array<i32>} : memref<2x200x256xf32, #tpu.memory_space<vmem>>, vector<16xf32>,
        tpu.vector_store %arg7[%parallel_loop3A_425, %parallel_loop3A_426, %parallel_loop3A_427], %parallel_loop3A_423 {strides = array<i32>} : memref<2x200x256xf32, #tpu.memory_space<vmem>>, vector<16xf32>,
        %parallel_loop3A_429 = arith.constant 240 : i32
        %parallel_loop3A_430 = vector.broadcast %parallel_loop3A_429 : i32 to vector<16xi32>
        %parallel_loop3A_431 = arith.addi %iota3A, %parallel_loop3A_430 : vector<16xi32>
        %parallel_loop3A_432 = arith.addi %parallel_loop3A_278, %parallel_loop3A_431 : vector<16xi32>
        %parallel_loop3A_433 = tpu.vector_load_idx %arg8[%parallel_loop3A_432] : memref<26624xf32, #tpu.memory_space<vmem>>[vector<16xi32>], vector<16xf32>,
        %parallel_loop3A_434 = arith.constant 1 : i32
        %parallel_loop3A_435 = arith.index_cast %parallel_loop3A_434 : i32 to index
        %parallel_loop3A_436 = arith.index_cast %parallel_loop3A_273 : i32 to index
        %parallel_loop3A_437 = arith.constant 240 : index
        %parallel_loop3A_438 = tpu.vector_load %arg7[%parallel_loop3A_435, %parallel_loop3A_436, %parallel_loop3A_437] {strides = array<i32>} : memref<2x200x256xf32, #tpu.memory_space<vmem>>, vector<16xf32>,
        tpu.vector_store %arg7[%parallel_loop3A_435, %parallel_loop3A_436, %parallel_loop3A_437], %parallel_loop3A_433 {strides = array<i32>} : memref<2x200x256xf32, #tpu.memory_space<vmem>>, vector<16xf32>,
      } {sc.loop_unroll_factor = 4 : i64, sc.parallel_access}
      %dma_start3A_231 = arith.constant 1 : i32
      %dma_start3A_232 = arith.constant 0 : i32
      %dma_start3A_233 = arith.constant 1 : i32
      %dma_start3A_234 = arith.constant 0 : i32
      %dma_start3A_235 = arith.constant 0 : i32
      %dma_start3A_236 = tpu.memref_slice %arg7[%dma_start3A_231, %dma_start3A_234, %dma_start3A_235] : memref<2x200x256xf32, #tpu.memory_space<vmem>> -> memref<1x200x256xf32, #tpu.memory_space<vmem>>
      %dma_start3A_237 = tpu.memref_squeeze %dma_start3A_236 : memref<1x200x256xf32, #tpu.memory_space<vmem>> -> memref<200x256xf32, #tpu.memory_space<vmem>>
      %dma_start3A_238 = arith.constant 0 : i32
      %dma_start3A_239 = arith.constant 0 : i32
      %dma_start3A_240 = tpu.memref_slice %arg4[%add3A_198, %dma_start3A_232, %dma_start3A_238, %dma_start3A_239] : memref<1024x2x200x256xf32, #tpu.memory_space<hbm>> -> memref<1x1x200x256xf32, #tpu.memory_space<hbm>>
      %dma_start3A_241 = tpu.memref_squeeze %dma_start3A_240 : memref<1x1x200x256xf32, #tpu.memory_space<hbm>> -> memref<200x256xf32, #tpu.memory_space<hbm>>
      %dma_start3A_242 = tpu.memref_slice %arg10[%dma_start3A_233] : memref<2x!tpu.dma_semaphore, #tpu.memory_space<semaphore_mem>> -> memref<1x!tpu.dma_semaphore, #tpu.memory_space<semaphore_mem>>
      %dma_start3A_243 = tpu.memref_squeeze %dma_start3A_242 : memref<1x!tpu.dma_semaphore, #tpu.memory_space<semaphore_mem>> -> memref<!tpu.dma_semaphore, #tpu.memory_space<semaphore_mem>>
      %dma_start3A_244 = arith.constant 0 : i32
      %dma_start3A_245 = arith.constant 0 : i32
      %dma_start3A_246 = tpu.memref_slice %arg4[%add3A_198, %dma_start3A_232, %dma_start3A_244, %dma_start3A_245] : memref<1024x2x200x256xf32, #tpu.memory_space<hbm>> -> memref<1x1x200x256xf32, #tpu.memory_space<hbm>>
      %dma_start3A_247 = tpu.memref_squeeze %dma_start3A_246 : memref<1x1x200x256xf32, #tpu.memory_space<hbm>> -> memref<200x256xf32, #tpu.memory_space<hbm>>
      %dma_start3A_248 = arith.constant 0 : i32
      %dma_start3A_249 = arith.constant 0 : i32
      %dma_start3A_250 = tpu.memref_slice %arg7[%dma_start3A_231, %dma_start3A_248, %dma_start3A_249] : memref<2x200x256xf32, #tpu.memory_space<vmem>> -> memref<1x200x256xf32, #tpu.memory_space<vmem>>
      %dma_start3A_251 = tpu.memref_squeeze %dma_start3A_250 : memref<1x200x256xf32, #tpu.memory_space<vmem>> -> memref<200x256xf32, #tpu.memory_space<vmem>>
      tpu.enqueue_dma source(%dma_start3A_251 : memref<200x256xf32, #tpu.memory_space<vmem>>) target(%dma_start3A_247 : memref<200x256xf32, #tpu.memory_space<hbm>>) target_semaphore(%dma_start3A_243 : memref<!tpu.dma_semaphore, #tpu.memory_space<semaphore_mem>>)
      %dma_start3A_252 = arith.constant 1 : i32
      %dma_start3A_253 = arith.constant 1 : i32
      %dma_start3A_254 = arith.constant 1 : i32
      %dma_start3A_255 = arith.constant 0 : i32
      %dma_start3A_256 = arith.constant 0 : i32
      %dma_start3A_257 = tpu.memref_slice %arg7[%dma_start3A_252, %dma_start3A_255, %dma_start3A_256] : memref<2x200x256xf32, #tpu.memory_space<vmem>> -> memref<1x200x256xf32, #tpu.memory_space<vmem>>
      %dma_start3A_258 = tpu.memref_squeeze %dma_start3A_257 : memref<1x200x256xf32, #tpu.memory_space<vmem>> -> memref<200x256xf32, #tpu.memory_space<vmem>>
      %dma_start3A_259 = arith.constant 0 : i32
      %dma_start3A_260 = arith.constant 0 : i32
      %dma_start3A_261 = tpu.memref_slice %arg4[%add3A_198, %dma_start3A_253, %dma_start3A_259, %dma_start3A_260] : memref<1024x2x200x256xf32, #tpu.memory_space<hbm>> -> memref<1x1x200x256xf32, #tpu.memory_space<hbm>>
      %dma_start3A_262 = tpu.memref_squeeze %dma_start3A_261 : memref<1x1x200x256xf32, #tpu.memory_space<hbm>> -> memref<200x256xf32, #tpu.memory_space<hbm>>
      %dma_start3A_263 = tpu.memref_slice %arg10[%dma_start3A_254] : memref<2x!tpu.dma_semaphore, #tpu.memory_space<semaphore_mem>> -> memref<1x!tpu.dma_semaphore, #tpu.memory_space<semaphore_mem>>
      %dma_start3A_264 = tpu.memref_squeeze %dma_start3A_263 : memref<1x!tpu.dma_semaphore, #tpu.memory_space<semaphore_mem>> -> memref<!tpu.dma_semaphore, #tpu.memory_space<semaphore_mem>>
      %dma_start3A_265 = arith.constant 0 : i32
      %dma_start3A_266 = arith.constant 0 : i32
      %dma_start3A_267 = tpu.memref_slice %arg4[%add3A_198, %dma_start3A_253, %dma_start3A_265, %dma_start3A_266] : memref<1024x2x200x256xf32, #tpu.memory_space<hbm>> -> memref<1x1x200x256xf32, #tpu.memory_space<hbm>>
      %dma_start3A_268 = tpu.memref_squeeze %dma_start3A_267 : memref<1x1x200x256xf32, #tpu.memory_space<hbm>> -> memref<200x256xf32, #tpu.memory_space<hbm>>
      %dma_start3A_269 = arith.constant 0 : i32
      %dma_start3A_270 = arith.constant 0 : i32
      %dma_start3A_271 = tpu.memref_slice %arg7[%dma_start3A_252, %dma_start3A_269, %dma_start3A_270] : memref<2x200x256xf32, #tpu.memory_space<vmem>> -> memref<1x200x256xf32, #tpu.memory_space<vmem>>
      %dma_start3A_272 = tpu.memref_squeeze %dma_start3A_271 : memref<1x200x256xf32, #tpu.memory_space<vmem>> -> memref<200x256xf32, #tpu.memory_space<vmem>>
      tpu.enqueue_dma source(%dma_start3A_272 : memref<200x256xf32, #tpu.memory_space<vmem>>) target(%dma_start3A_268 : memref<200x256xf32, #tpu.memory_space<hbm>>) target_semaphore(%dma_start3A_264 : memref<!tpu.dma_semaphore, #tpu.memory_space<semaphore_mem>>)
    }
    %scan3A_13 = arith.constant 16 : i32
    %add3A_14 = arith.constant 32 : i32
    %add3A_15 = arith.addi %mul3A_2, %add3A_14 : i32
    %sub3A = arith.constant 1 : i32
    %sub3A_16 = arith.subi %add3A_15, %sub3A : i32
    %mul3A_17 = arith.constant 200 : i32
    %mul3A_18 = arith.muli %sub3A_16, %mul3A_17 : i32
    %dma_wait3A = arith.constant 0 : i32
    %dma_wait3A_19 = tpu.memref_slice %arg3[%mul3A_18] : memref<204800xi32, #tpu.memory_space<hbm>> -> memref<200xi32, #tpu.memory_space<hbm>>
    %dma_wait3A_20 = tpu.memref_slice %arg9[%dma_wait3A] : memref<2x!tpu.dma_semaphore, #tpu.memory_space<semaphore_mem>> -> memref<1x!tpu.dma_semaphore, #tpu.memory_space<semaphore_mem>>
    %dma_wait3A_21 = tpu.memref_squeeze %dma_wait3A_20 : memref<1x!tpu.dma_semaphore, #tpu.memory_space<semaphore_mem>> -> memref<!tpu.dma_semaphore, #tpu.memory_space<semaphore_mem>>
    %dma_wait3A_22 = tpu.memref_slice %arg3[%mul3A_18] : memref<204800xi32, #tpu.memory_space<hbm>> -> memref<200xi32, #tpu.memory_space<hbm>>
    tpu.wait_dma2 semaphore(%dma_wait3A_21 : memref<!tpu.dma_semaphore, #tpu.memory_space<semaphore_mem>>) src(%dma_wait3A_22 : memref<200xi32, #tpu.memory_space<hbm>>) dst(%arg5 : memref<200xi32, #tpu.memory_space<vmem>>)
    %add3A_23 = arith.constant 32 : i32
    %add3A_24 = arith.addi %mul3A_2, %add3A_23 : i32
    %sub3A_25 = arith.constant 2 : i32
    %sub3A_26 = arith.subi %add3A_24, %sub3A_25 : i32
    %add3A_27 = arith.constant 0 : i32
    %add3A_28 = arith.addi %sub3A_26, %add3A_27 : i32
    %dma_wait3A_29 = arith.constant 0 : i32
    %dma_wait3A_30 = arith.constant 0 : i32
    %dma_wait3A_31 = arith.constant 0 : i32
    %dma_wait3A_32 = arith.constant 0 : i32
    %dma_wait3A_33 = arith.constant 0 : i32
    %dma_wait3A_34 = tpu.memref_slice %arg7[%dma_wait3A_29, %dma_wait3A_32, %dma_wait3A_33] : memref<2x200x256xf32, #tpu.memory_space<vmem>> -> memref<1x200x256xf32, #tpu.memory_space<vmem>>
    %dma_wait3A_35 = tpu.memref_squeeze %dma_wait3A_34 : memref<1x200x256xf32, #tpu.memory_space<vmem>> -> memref<200x256xf32, #tpu.memory_space<vmem>>
    %dma_wait3A_36 = arith.constant 0 : i32
    %dma_wait3A_37 = arith.constant 0 : i32
    %dma_wait3A_38 = tpu.memref_slice %arg4[%add3A_28, %dma_wait3A_30, %dma_wait3A_36, %dma_wait3A_37] : memref<1024x2x200x256xf32, #tpu.memory_space<hbm>> -> memref<1x1x200x256xf32, #tpu.memory_space<hbm>>
    %dma_wait3A_39 = tpu.memref_squeeze %dma_wait3A_38 : memref<1x1x200x256xf32, #tpu.memory_space<hbm>> -> memref<200x256xf32, #tpu.memory_space<hbm>>
    %dma_wait3A_40 = tpu.memref_slice %arg10[%dma_wait3A_31] : memref<2x!tpu.dma_semaphore, #tpu.memory_space<semaphore_mem>> -> memref<1x!tpu.dma_semaphore, #tpu.memory_space<semaphore_mem>>
    %dma_wait3A_41 = tpu.memref_squeeze %dma_wait3A_40 : memref<1x!tpu.dma_semaphore, #tpu.memory_space<semaphore_mem>> -> memref<!tpu.dma_semaphore, #tpu.memory_space<semaphore_mem>>
    %dma_wait3A_42 = arith.constant 0 : i32
    %dma_wait3A_43 = arith.constant 0 : i32
    %dma_wait3A_44 = tpu.memref_slice %arg4[%add3A_28, %dma_wait3A_30, %dma_wait3A_42, %dma_wait3A_43] : memref<1024x2x200x256xf32, #tpu.memory_space<hbm>> -> memref<1x1x200x256xf32, #tpu.memory_space<hbm>>
    %dma_wait3A_45 = tpu.memref_squeeze %dma_wait3A_44 : memref<1x1x200x256xf32, #tpu.memory_space<hbm>> -> memref<200x256xf32, #tpu.memory_space<hbm>>
    %dma_wait3A_46 = arith.constant 0 : i32
    %dma_wait3A_47 = arith.constant 0 : i32
    %dma_wait3A_48 = tpu.memref_slice %arg7[%dma_wait3A_29, %dma_wait3A_46, %dma_wait3A_47] : memref<2x200x256xf32, #tpu.memory_space<vmem>> -> memref<1x200x256xf32, #tpu.memory_space<vmem>>
    %dma_wait3A_49 = tpu.memref_squeeze %dma_wait3A_48 : memref<1x200x256xf32, #tpu.memory_space<vmem>> -> memref<200x256xf32, #tpu.memory_space<vmem>>
    tpu.wait_dma2 semaphore(%dma_wait3A_41 : memref<!tpu.dma_semaphore, #tpu.memory_space<semaphore_mem>>) src(%dma_wait3A_49 : memref<200x256xf32, #tpu.memory_space<vmem>>) dst(%dma_wait3A_45 : memref<200x256xf32, #tpu.memory_space<hbm>>)
    %add3A_50 = arith.constant 0 : i32
    %add3A_51 = arith.addi %sub3A_26, %add3A_50 : i32
    %dma_wait3A_52 = arith.constant 0 : i32
    %dma_wait3A_53 = arith.constant 1 : i32
    %dma_wait3A_54 = arith.constant 0 : i32
    %dma_wait3A_55 = arith.constant 0 : i32
    %dma_wait3A_56 = arith.constant 0 : i32
    %dma_wait3A_57 = tpu.memref_slice %arg7[%dma_wait3A_52, %dma_wait3A_55, %dma_wait3A_56] : memref<2x200x256xf32, #tpu.memory_space<vmem>> -> memref<1x200x256xf32, #tpu.memory_space<vmem>>
    %dma_wait3A_58 = tpu.memref_squeeze %dma_wait3A_57 : memref<1x200x256xf32, #tpu.memory_space<vmem>> -> memref<200x256xf32, #tpu.memory_space<vmem>>
    %dma_wait3A_59 = arith.constant 0 : i32
    %dma_wait3A_60 = arith.constant 0 : i32
    %dma_wait3A_61 = tpu.memref_slice %arg4[%add3A_51, %dma_wait3A_53, %dma_wait3A_59, %dma_wait3A_60] : memref<1024x2x200x256xf32, #tpu.memory_space<hbm>> -> memref<1x1x200x256xf32, #tpu.memory_space<hbm>>
    %dma_wait3A_62 = tpu.memref_squeeze %dma_wait3A_61 : memref<1x1x200x256xf32, #tpu.memory_space<hbm>> -> memref<200x256xf32, #tpu.memory_space<hbm>>
    %dma_wait3A_63 = tpu.memref_slice %arg10[%dma_wait3A_54] : memref<2x!tpu.dma_semaphore, #tpu.memory_space<semaphore_mem>> -> memref<1x!tpu.dma_semaphore, #tpu.memory_space<semaphore_mem>>
    %dma_wait3A_64 = tpu.memref_squeeze %dma_wait3A_63 : memref<1x!tpu.dma_semaphore, #tpu.memory_space<semaphore_mem>> -> memref<!tpu.dma_semaphore, #tpu.memory_space<semaphore_mem>>
    %dma_wait3A_65 = arith.constant 0 : i32
    %dma_wait3A_66 = arith.constant 0 : i32
    %dma_wait3A_67 = tpu.memref_slice %arg4[%add3A_51, %dma_wait3A_53, %dma_wait3A_65, %dma_wait3A_66] : memref<1024x2x200x256xf32, #tpu.memory_space<hbm>> -> memref<1x1x200x256xf32, #tpu.memory_space<hbm>>
    %dma_wait3A_68 = tpu.memref_squeeze %dma_wait3A_67 : memref<1x1x200x256xf32, #tpu.memory_space<hbm>> -> memref<200x256xf32, #tpu.memory_space<hbm>>
    %dma_wait3A_69 = arith.constant 0 : i32
    %dma_wait3A_70 = arith.constant 0 : i32
    %dma_wait3A_71 = tpu.memref_slice %arg7[%dma_wait3A_52, %dma_wait3A_69, %dma_wait3A_70] : memref<2x200x256xf32, #tpu.memory_space<vmem>> -> memref<1x200x256xf32, #tpu.memory_space<vmem>>
    %dma_wait3A_72 = tpu.memref_squeeze %dma_wait3A_71 : memref<1x200x256xf32, #tpu.memory_space<vmem>> -> memref<200x256xf32, #tpu.memory_space<vmem>>
    tpu.wait_dma2 semaphore(%dma_wait3A_64 : memref<!tpu.dma_semaphore, #tpu.memory_space<semaphore_mem>>) src(%dma_wait3A_72 : memref<200x256xf32, #tpu.memory_space<vmem>>) dst(%dma_wait3A_68 : memref<200x256xf32, #tpu.memory_space<hbm>>)
    %add3A_73 = arith.constant 1 : i32
    %add3A_74 = arith.addi %sub3A_26, %add3A_73 : i32
    %dma_wait3A_75 = arith.constant 1 : i32
    %dma_wait3A_76 = arith.constant 0 : i32
    %dma_wait3A_77 = arith.constant 1 : i32
    %dma_wait3A_78 = arith.constant 0 : i32
    %dma_wait3A_79 = arith.constant 0 : i32
    %dma_wait3A_80 = tpu.memref_slice %arg7[%dma_wait3A_75, %dma_wait3A_78, %dma_wait3A_79] : memref<2x200x256xf32, #tpu.memory_space<vmem>> -> memref<1x200x256xf32, #tpu.memory_space<vmem>>
    %dma_wait3A_81 = tpu.memref_squeeze %dma_wait3A_80 : memref<1x200x256xf32, #tpu.memory_space<vmem>> -> memref<200x256xf32, #tpu.memory_space<vmem>>
    %dma_wait3A_82 = arith.constant 0 : i32
    %dma_wait3A_83 = arith.constant 0 : i32
    %dma_wait3A_84 = tpu.memref_slice %arg4[%add3A_74, %dma_wait3A_76, %dma_wait3A_82, %dma_wait3A_83] : memref<1024x2x200x256xf32, #tpu.memory_space<hbm>> -> memref<1x1x200x256xf32, #tpu.memory_space<hbm>>
    %dma_wait3A_85 = tpu.memref_squeeze %dma_wait3A_84 : memref<1x1x200x256xf32, #tpu.memory_space<hbm>> -> memref<200x256xf32, #tpu.memory_space<hbm>>
    %dma_wait3A_86 = tpu.memref_slice %arg10[%dma_wait3A_77] : memref<2x!tpu.dma_semaphore, #tpu.memory_space<semaphore_mem>> -> memref<1x!tpu.dma_semaphore, #tpu.memory_space<semaphore_mem>>
    %dma_wait3A_87 = tpu.memref_squeeze %dma_wait3A_86 : memref<1x!tpu.dma_semaphore, #tpu.memory_space<semaphore_mem>> -> memref<!tpu.dma_semaphore, #tpu.memory_space<semaphore_mem>>
    %dma_wait3A_88 = arith.constant 0 : i32
    %dma_wait3A_89 = arith.constant 0 : i32
    %dma_wait3A_90 = tpu.memref_slice %arg4[%add3A_74, %dma_wait3A_76, %dma_wait3A_88, %dma_wait3A_89] : memref<1024x2x200x256xf32, #tpu.memory_space<hbm>> -> memref<1x1x200x256xf32, #tpu.memory_space<hbm>>
    %dma_wait3A_91 = tpu.memref_squeeze %dma_wait3A_90 : memref<1x1x200x256xf32, #tpu.memory_space<hbm>> -> memref<200x256xf32, #tpu.memory_space<hbm>>
    %dma_wait3A_92 = arith.constant 0 : i32
    %dma_wait3A_93 = arith.constant 0 : i32
    %dma_wait3A_94 = tpu.memref_slice %arg7[%dma_wait3A_75, %dma_wait3A_92, %dma_wait3A_93] : memref<2x200x256xf32, #tpu.memory_space<vmem>> -> memref<1x200x256xf32, #tpu.memory_space<vmem>>
    %dma_wait3A_95 = tpu.memref_squeeze %dma_wait3A_94 : memref<1x200x256xf32, #tpu.memory_space<vmem>> -> memref<200x256xf32, #tpu.memory_space<vmem>>
    tpu.wait_dma2 semaphore(%dma_wait3A_87 : memref<!tpu.dma_semaphore, #tpu.memory_space<semaphore_mem>>) src(%dma_wait3A_95 : memref<200x256xf32, #tpu.memory_space<vmem>>) dst(%dma_wait3A_91 : memref<200x256xf32, #tpu.memory_space<hbm>>)
    %add3A_96 = arith.constant 1 : i32
    %add3A_97 = arith.addi %sub3A_26, %add3A_96 : i32
    %dma_wait3A_98 = arith.constant 1 : i32
    %dma_wait3A_99 = arith.constant 1 : i32
    %dma_wait3A_100 = arith.constant 1 : i32
    %dma_wait3A_101 = arith.constant 0 : i32
    %dma_wait3A_102 = arith.constant 0 : i32
    %dma_wait3A_103 = tpu.memref_slice %arg7[%dma_wait3A_98, %dma_wait3A_101, %dma_wait3A_102] : memref<2x200x256xf32, #tpu.memory_space<vmem>> -> memref<1x200x256xf32, #tpu.memory_space<vmem>>
    %dma_wait3A_104 = tpu.memref_squeeze %dma_wait3A_103 : memref<1x200x256xf32, #tpu.memory_space<vmem>> -> memref<200x256xf32, #tpu.memory_space<vmem>>
    %dma_wait3A_105 = arith.constant 0 : i32
    %dma_wait3A_106 = arith.constant 0 : i32
    %dma_wait3A_107 = tpu.memref_slice %arg4[%add3A_97, %dma_wait3A_99, %dma_wait3A_105, %dma_wait3A_106] : memref<1024x2x200x256xf32, #tpu.memory_space<hbm>> -> memref<1x1x200x256xf32, #tpu.memory_space<hbm>>
    %dma_wait3A_108 = tpu.memref_squeeze %dma_wait3A_107 : memref<1x1x200x256xf32, #tpu.memory_space<hbm>> -> memref<200x256xf32, #tpu.memory_space<hbm>>
    %dma_wait3A_109 = tpu.memref_slice %arg10[%dma_wait3A_100] : memref<2x!tpu.dma_semaphore, #tpu.memory_space<semaphore_mem>> -> memref<1x!tpu.dma_semaphore, #tpu.memory_space<semaphore_mem>>
    %dma_wait3A_110 = tpu.memref_squeeze %dma_wait3A_109 : memref<1x!tpu.dma_semaphore, #tpu.memory_space<semaphore_mem>> -> memref<!tpu.dma_semaphore, #tpu.memory_space<semaphore_mem>>
    %dma_wait3A_111 = arith.constant 0 : i32
    %dma_wait3A_112 = arith.constant 0 : i32
    %dma_wait3A_113 = tpu.memref_slice %arg4[%add3A_97, %dma_wait3A_99, %dma_wait3A_111, %dma_wait3A_112] : memref<1024x2x200x256xf32, #tpu.memory_space<hbm>> -> memref<1x1x200x256xf32, #tpu.memory_space<hbm>>
    %dma_wait3A_114 = tpu.memref_squeeze %dma_wait3A_113 : memref<1x1x200x256xf32, #tpu.memory_space<hbm>> -> memref<200x256xf32, #tpu.memory_space<hbm>>
    %dma_wait3A_115 = arith.constant 0 : i32
    %dma_wait3A_116 = arith.constant 0 : i32
    %dma_wait3A_117 = tpu.memref_slice %arg7[%dma_wait3A_98, %dma_wait3A_115, %dma_wait3A_116] : memref<2x200x256xf32, #tpu.memory_space<vmem>> -> memref<1x200x256xf32, #tpu.memory_space<vmem>>
    %dma_wait3A_118 = tpu.memref_squeeze %dma_wait3A_117 : memref<1x200x256xf32, #tpu.memory_space<vmem>> -> memref<200x256xf32, #tpu.memory_space<vmem>>
    tpu.wait_dma2 semaphore(%dma_wait3A_110 : memref<!tpu.dma_semaphore, #tpu.memory_space<semaphore_mem>>) src(%dma_wait3A_118 : memref<200x256xf32, #tpu.memory_space<vmem>>) dst(%dma_wait3A_114 : memref<200x256xf32, #tpu.memory_space<hbm>>)
    return
  }
}

module attributes {stable_mosaic.version = 14 : i64} {
  func.func @_table_body(%arg0: memref<104x64xf32, #tpu.memory_space<vmem>>, %arg1: memref<64x256xf32, #tpu.memory_space<vmem>>, %arg2: memref<1x256xf32, #tpu.memory_space<vmem>>, %arg3: memref<104x256xf32, #tpu.memory_space<vmem>>) attributes {dimension_semantics = [], scalar_prefetch = 0 : i64, scratch_operands = 0 : i64, tpu.core_type = #tpu.core_type<tc>} {
    %get3A = arith.constant 0 : index
    %get3A_0 = arith.constant 0 : index
    %get3A_1 = vector.load %arg0[%get3A, %get3A_0] : memref<104x64xf32, #tpu.memory_space<vmem>>, vector<104x64xf32>
    %get3A_2 = arith.constant 0 : index
    %get3A_3 = arith.constant 0 : index
    %get3A_4 = vector.load %arg1[%get3A_2, %get3A_3] : memref<64x256xf32, #tpu.memory_space<vmem>>, vector<64x256xf32>
    %dot_general3A = arith.constant dense<0.000000e+00> : vector<104x256xf32>
    %dot_general3A_5 = tpu.matmul %get3A_1, %get3A_4, %dot_general3A {dimension_numbers = #tpu.dot_dimension_numbers<[1], [0], [0], [1], [0, 0, 1, 1], [], []>, transpose_lhs_hint = false} : vector<104x64xf32>, vector<64x256xf32>, vector<104x256xf32> -> vector<104x256xf32>
    %get3A_6 = arith.constant 0 : index
    %get3A_7 = arith.constant 0 : index
    %get3A_8 = vector.load %arg2[%get3A_6, %get3A_7] : memref<1x256xf32, #tpu.memory_space<vmem>>, vector<1x256xf32>
    %add3A = vector.broadcast %get3A_8 : vector<1x256xf32> to vector<104x256xf32>
    %add3A_9 = arith.addf %dot_general3A_5, %add3A : vector<104x256xf32>
    %swap3A = arith.constant 0 : index
    %swap3A_10 = arith.constant 0 : index
    %swap3A_11 = vector.load %arg3[%swap3A, %swap3A_10] : memref<104x256xf32, #tpu.memory_space<vmem>>, vector<104x256xf32>
    tpu.vector_store %arg3[%swap3A, %swap3A_10], %add3A_9 {strides = array<i32>} : memref<104x256xf32, #tpu.memory_space<vmem>>, vector<104x256xf32>,
    return
  }
}

</mosaic_0001>

<sc_bundles>
// kernel: kernel.4.cloned.1.call-start
scs
__scs_entry_jumppad:
0x0: {  	(pc) =	sbr.rel $0x88, $3  }
0x1: {  	(tag) =	ssettag $0x0;
	lr =	simm.s32 $0x1  }
0x2: {  	[smem:$0x3F9D] =	sst lr;
	_ =	strace $0xD0000000  }
0x3: {  	_ = 	snop  }
0x4: {  	_ = 	snop  }
0x5: {  	_ = 	snop  }
0x6: {  	_ = 	snop  }
0x7: {  	_ = 	snop  }
__scs_overlays_trampoline_lowered:
0x8: {  	[smem:$0x3FAC] =	sst s0  }
0x9: {  	[smem:$0x3FAD] =	sst s1  }
0xa: {  	[smem:$0x3FAE] =	sst s2  }
0xb: {  	[smem:$0x3FAF] =	sst s3  }
0xc: {  	[smem:$0x3FB0] =	sst s4  }
0xd: {  	[smem:$0x3FB1] =	sst s5  }
0xe: {  	[smem:$0x3FB2] =	sst s6  }
0xf: {  	[smem:$0x3FB3] =	sst s7  }
0x10: {  	[smem:$0x3FB4] =	sst s8  }
0x11: {  	[smem:$0x3FB5] =	sst s9;
	s0 =	simm.s32 @!p0 $0x0  }
0x12: {  	s1 =	sld [smem:$0x3F9B];
	s0 =	simm.s32 @p0 $0x1  }
0x13: {  	[smem:$0x3FB6] =	sst s0;
	s0 =	simm.s32 @!p1 $0x0  }
0x14: {  	s2 =	sld [smem:$0x3F9A];
	s0 =	simm.s32 @p1 $0x1  }
0x15: {  	[smem:$0x3FB7] =	sst s0;
	s0 =	simm.s32 @!p2 $0x0  }
0x16: {  	s3 =	sld [smem:$0x3FDB];
	s0 =	simm.s32 @p2 $0x1  }
0x17: {  	s4 =	simm.s32 $0x1BF5;
	[smem:$0x3FB9] =	sst s0  }
0x18: {  	s0 =	sld [smem:$0x3F9C];
	_ =	swait.ge [sflag:s4], $0x0  }
0x19: {  	s7 =	sld [smem:$0x3F9D]  }
0x1a: {  	s8 =	sadd.s32 $0xFFFFE003, lr  }
0x1b: {  	s9 =	sadd.s32 $0xFFFFFEF7, lr;
	s5 =	simm.s32 $0xFFFFFFFF;
	p2 =	slt.u32 s8, $0xFFFFF086  }
0x1c: {  	p1 =	slt.u32 s9, $0xF7A;
	s5 =	simm.s32 @!p2 $0x0  }
0x1d: {  	s5 =	simm.s32 @p1 $0x1;
	p0 =	seq.s32 s7, s2  }
0x1e: {  	s7 =	smul.u32 @!p0 $0xF7A, s2;
	p2 =	seq.s32 @!p0 s5, $0x0  }
0x1f: {  	s9 =	smul.u32 $0xF7A, s1;
	s8 =	simm.s32 @!p0 $0x1BF5;
	p2 =	por !p2, p0  }
0x20: {  	[sflag:s8] =	ssyncset.s32 @!p0 $0xFFFFF086;
	s6 =	sadd.s32 @!p0 s3, s7;
	s7 =	simm.s32 @!p0 $0x108  }
0x21: {  	s3 =	sadd.s32 s3, s9;
	s6 =	sadd.s32 @!p0 $0x88, s6;
	s7 =	simm.s32 @p2 $0x1082  }
0x22: {  	[simem:s7], [sflag:s8] =	dma.local @!p0 [hbm:s6], $0xF7A  }
0x23: {  	s9 =	sor.u32 $0xD0000000, s2;
	s6 =	simm.s32 $0x108;
	_ =	swait.ge @!p0 [sflag:s8], $0x0  }
0x24: {  	s3 =	sadd.s32 $0x88, s3;
	s6 =	simm.s32 @!p1 $0x1082;
	[sflag:s4] =	ssyncset.s32 $0xFFFFF086  }
0x25: {  	[simem:s6], [sflag:s4] =	dma.local [hbm:s3], $0xF7A  }
0x26: {  	[smem:$0x3F9D] =	sst s1;
	(tag) =	ssettag s2;
	_ =	strace s9  }
0x27: {  	s1 =	sld [smem:$0x3FAD]  }
0x28: {  	s2 =	sld [smem:$0x3FAE]  }
0x29: {  	s4 =	sld [smem:$0x3FB0]  }
0x2a: {  	p0 =	seq.s32 s5, $0x0;
	s5 =	sld [smem:$0x3FB1]  }
0x2b: {  	s6 =	sld [smem:$0x3FB2]  }
0x2c: {  	s7 =	sld [smem:$0x3FB3]  }
0x2d: {  	s3 =	simm.s32 $0x108;
	s8 =	sld [smem:$0x3FB4]  }
0x2e: {  	s3 =	simm.s32 @!p0 $0x1082;
	s9 =	sld [smem:$0x3FB5]  }
0x2f: {  	lr =	sadd.s32 s0, s3;
	s0 =	sld [smem:$0x3FAC]  }
0x30: {  	s3 =	sld [smem:$0x3FAF]  }
0x31: {  	[smem:$0x3FB8] =	sst s10  }
0x32: {  	s10 =	sld [smem:$0x3FB6];
	_ =	sdelay $0x3  }
0x33: {  	p0 =	seq.s32 s10, $0x1;
	s10 =	sld [smem:$0x3FB8];
	_ =	sdelay $0x3  }
0x34: {  	[smem:$0x3FB8] =	sst s10  }
0x35: {  	s10 =	sld [smem:$0x3FB7];
	_ =	sdelay $0x3  }
0x36: {  	p1 =	seq.s32 s10, $0x1;
	s10 =	sld [smem:$0x3FB8];
	_ =	sdelay $0x3  }
0x37: {  	[smem:$0x3FB8] =	sst s10  }
0x38: {  	s10 =	sld [smem:$0x3FB9]  }
0x39: {  	_ = 	snop;
	(pc) =	sbr.ind lr, $3  }
0x3a: {  	_ = 	snop  }
0x3b: {  	_ = 	snop  }
0x3c: {  	p2 =	seq.s32 s10, $0x1;
	s10 =	sld [smem:$0x3FB8]  }
0x3d: {  	_ =	shalt  }
0x3e: {  	_ =	shalt  }
0x3f: {  	_ =	shalt  }
0x40: {  	_ =	shalt  }
0x41: {  	_ =	shalt  }
0x42: {  	_ =	shalt  }
0x43: {  	_ =	shalt  }
0x44: {  	_ =	shalt  }
0x45: {  	_ =	shalt  }
0x46: {  	_ =	shalt  }
0x47: {  	_ =	shalt  }
0x48: {  	_ =	shalt  }
0x49: {  	_ =	shalt  }
0x4a: {  	_ =	shalt  }
0x4b: {  	_ =	shalt  }
0x4c: {  	_ =	shalt  }
0x4d: {  	_ =	shalt  }
0x4e: {  	_ =	shalt  }
0x4f: {  	_ =	shalt  }
0x50: {  	_ =	shalt  }
0x51: {  	_ =	shalt  }
0x52: {  	_ =	shalt  }
0x53: {  	_ =	shalt  }
0x54: {  	_ =	shalt  }
0x55: {  	_ =	shalt  }
0x56: {  	_ =	shalt  }
0x57: {  	_ =	shalt  }
0x58: {  	_ =	shalt  }
0x59: {  	_ =	shalt  }
0x5a: {  	_ =	shalt  }
0x5b: {  	_ =	shalt  }
0x5c: {  	_ =	shalt  }
0x5d: {  	_ =	shalt  }
0x5e: {  	_ =	shalt  }
0x5f: {  	_ =	shalt  }
0x60: {  	_ =	shalt  }
0x61: {  	_ =	shalt  }
0x62: {  	_ =	shalt  }
0x63: {  	_ =	shalt  }
0x64: {  	_ =	shalt  }
0x65: {  	_ =	shalt  }
0x66: {  	_ =	shalt  }
0x67: {  	_ =	shalt  }
0x68: {  	_ =	shalt  }
0x69: {  	_ =	shalt  }
0x6a: {  	_ =	shalt  }
0x6b: {  	_ =	shalt  }
0x6c: {  	_ =	shalt  }
0x6d: {  	_ =	shalt  }
0x6e: {  	_ =	shalt  }
0x6f: {  	_ =	shalt  }
0x70: {  	_ =	shalt  }
0x71: {  	_ =	shalt  }
0x72: {  	_ =	shalt  }
0x73: {  	_ =	shalt  }
0x74: {  	_ =	shalt  }
0x75: {  	_ =	shalt  }
0x76: {  	_ =	shalt  }
0x77: {  	_ =	shalt  }
0x78: {  	_ =	shalt  }
0x79: {  	_ =	shalt  }
0x7a: {  	_ =	shalt  }
0x7b: {  	_ =	shalt  }
0x7c: {  	_ =	shalt  }
0x7d: {  	_ =	shalt  }
0x7e: {  	_ =	shalt  }
0x7f: {  	_ =	shalt  }
0x80: {  	_ =	shalt  }
0x81: {  	_ =	shalt  }
0x82: {  	_ =	shalt  }
0x83: {  	_ =	shalt  }
0x84: {  	_ =	shalt  }
0x85: {  	_ =	shalt  }
0x86: {  	_ =	shalt  }
0x87: {  	_ =	shalt  }
.Lfunc_end0:
.L_simem_size_0:
called_computation_lowered:
.L_overlay_start_0:
0x88: {  	s2 =	sld [smem:$0x3FD9]  }
0x89: {  	s3 =	sld [smem:$0x3FFE];
	_ =	sdelay $0x1  }
0x8a: {  	s1 =	srdreg.scid  }
0x8b: {  	s0 =	sand.u32 $0x1, s1  }
0x8c: {  	s17 =	sshll.u32 s0, $0xA;
	s2 =	sadd.s32 s3, s2  }
0x8d: {  	s2 =	sadd.s32 s2, s17  }
0x8e: {  	[smem:$0x3FC4] =	sst s2  }
0x8f: {  	_ = 	snop  }
0x90: {  	s2 =	sld [smem:$0x3FD0];
	(tm) =	ssettm $0x1  }
0x91: {  	s18 =	sld [smem:$0x3FFB];
	_ =	sdelay $0x3  }
0x92: {  	_ =	strace s18  }
0x93: {  	s3 =	sld [smem:$0x3FFC];
	_ =	sdelay $0x3  }
0x94: {  	_ =	strace s3  }
0x95: {  	s3 =	sld [smem:$0x3FFD];
	_ =	sdelay $0x3  }
0x96: {  	_ =	strace s3  }
0x97: {  	_ =	strace $0x8FFFFFFF  }
0x98: {  	s19 =	sld [smem:$0x3FDB];
	_ =	sdelay $0x1  }
0x99: {  	s4 =	simm.s32 $_scs_section_size  }
0x9a: {  	s5 =	simm.s32 $_size__tile_overlayer_lowered;
	s6 =	simm.s32 $_tile_overlayer_lowered  }
0x9b: {  	s22 =	simm.s32 $0x1BFF;
	s21 =	sshll.u32 s6, $0x1;
	s3 =	sadd.s32 s4, s19  }
0x9c: {  	s7 =	simm.s32 $0x0;
	s20 =	sshll.u32 s5, $0x1;
	s5 =	sadd.s32 s21, s3  }
0x9d: {  	[timem:s7], [sflag:s22] =	dma.local [hbm:s5], s20  }
0x9e: {  	_ =	swait.ge [sflag:s22], s20  }
0x9f: {  	s4 =	ssub.s32 $0x0, s20;
	[sflag:s22] =	ssyncset.done $0x0  }
0xa0: {  	[sflag:s22] =	ssyncadd.s32 s4;
	_ =	sdelay $0x1  }
0xa1: {  	s23 =	simm.s32 $0x1B8B  }
0xa2: {  	_ =	swait.ge [sflag:s23], $0x1  }
0xa3: {  	[sflag:s23] =	ssyncset.done $0x0  }
0xa4: {  	s25 =	simm.s32 $0x1B8E;
	s24 =	sld [smem:$0x3FFE];
	[sflag:s23] =	ssyncadd.s32 $0xFFFFFFFF  }
0xa5: {  	s26 =	simm.s32 $execute0_lowered;
	[smem:$0x3FD2] =	sst s25  }
0xa6: {  	s5 =	sshll.u32 s26, $0x1;
	_ =	strace $0x80000046;
	[dreg:$0x1] =	wrdreg $0xFFFFFFFF  }
0xa7: {  	s28 =	simm.s32 $_size_execute0_lowered;
	s3 =	sadd.s32 s3, s5;
	[dreg:$0x0] =	wrdreg $0x0  }
0xa8: {  	s5 =	sshll.u32 s28, $0x1;
	[dreg:$0x2] =	wrdreg s3  }
0xa9: {  	[dreg:$0x3] =	wrdreg s5  }
0xaa: {  	[dreg:$0x4] =	wrdreg $0xC0  }
0xab: {  	_ =	task [dreg:s7], $0x5FFFF  }
0xac: {  	[dreg:$0x1] =	wrdreg $0xFFFFFFFF  }
0xad: {  	[dreg:$0x0] =	wrdreg $0x60  }
0xae: {  	[dreg:$0x2] =	wrdreg s24  }
0xaf: {  	[dreg:$0x3] =	wrdreg s2  }
0xb0: {  	[dreg:$0x4] =	wrdreg $0x9  }
0xb1: {  	_ =	task.clear_ibuf [dreg:s7], $0x5FFFF;
	_ =	strace $0x90000046  }
0xb2: {  	s29 =	simm.s32 $0x9;
	_ =	strace $0x80000048  }
0xb3: {  	_ =	swait.ge [sflag:s29], $0x1  }
0xb4: {  	[sflag:s29] =	ssyncadd.s32 $0xFFFFFFFF  }
0xb5: {  	_ =	strace $0x90000048  }
0xb6: {  	_ =	sfence  }
0xb7: {  	s30 =	sld [smem:$0x0];
	_ =	sdelay $0x2  }
0xb8: {  	s31 =	sshll.u32 s1, $0xD;
	s1 =	sshrl.u32 s1, $0x2  }
0xb9: {  	s3 =	sand.u32 $0x4000, s31;
	s1 =	sadd.s32 s1, s30  }
0xba: {  	s0 =	sor.u32 s3, s0;
	s1 =	sshll.u32 s1, $0x11  }
0xbb: {  	s0 =	sor.u32 s1, s0  }
0xbc: {  	s0 =	sadd.s32 $0x8F2B, s0  }
0xbd: {  	[sflag:s0] =	ssyncadd.remote.s32 $0x1  }
0xbe: {  	_ =	sfence.sel $0xFFFF  }
0xbf: {  	[dreg:$0x0] =	wrdreg $0xFFFFFFFF;
	(pc) =	sbr.abs _section_cstart, $3  }
0xc0: {  	[dreg:$0x1] =	wrdreg $0xFFFFFFFF  }
0xc1: {  	_ =	task.clear_ibuf [dreg:s7], $0x2FFFF;
	_ =	strace $0x9FFFFFFF  }
0xc2: {  	(tm) =	ssettm $0x7FFFFFFF  }
0xc3: {  	_ =	shalt  }
tec
execute0_lowered:
.L_overlay_start_1:
0x0: {  	(tag) =	ssettag $0x1  }
0x1: {  	s0 =	rddreg [dreg:$0x0];
	s1 =	srdreg.scid  }
0x2: {  	s2 =	stileid.u32;
	s3 =	simm.s32 $0x0;
	s1 =	sand.u32 $0x1, s1  }
0x3: {  	s2 =	sshll.u32 s2, $0x1;
	[smem:$0x7FF] =	sst s3;
	s4 =	sadd.s32 $0x800, s0  }
0x4: {  	s19 =	sadd.s32 $0x1600, s0;
	_ =	strace $0x80000047;
	[dreg:$0x1a] =	wrdreg s4  }
0x5: {  	v0 =	vlaneseq.u32;
	s2 =	sor.u32 s1, s2;
	s1 =	ssub.s32 $0x2, s1;
	[dreg:$0x1b] =	wrdreg s19  }
0x6: {  	v1 =	vor.u32 $0x10, v0;
	v2 =	vor.u32 $0x20, v0;
	v3 =	vor.u32 $0x30, v0;
	s28 =	smul.u32 $0x320, s2;
	s29 =	sshrl.u32 s1, $0x1;
	s30 =	sshll.u32 s2, $0x5  }
0x7: {  	v4 =	vor.u32 $0x40, v0;
	v5 =	vor.u32 $0x50, v0;
	v6 =	vor.u32 $0x60, v0;
	s0 =	ssub.s32 s1, s29;
	[dreg:$0x1c] =	wrdreg s30;
	s1 =	sor.u32 $0x2, s30  }
0x8: {  	v7 =	vor.u32 $0x70, v0;
	v8 =	vor.u32 $0x80, v0;
	v9 =	vor.u32 $0x90, v0;
	s31 =	sadd.s32 s19, s28;
	[dreg:$0x1e] =	wrdreg s1  }
0x9: {  	s10 =	simm.s32 $0x19200;
	v10 =	vor.u32 $0xA0, v0;
	v11 =	vor.u32 $0xB0, v0;
	v12 =	vor.u32 $0xC0, v0;
	s0 =	smax.u32 s0, $0x1;
	[dreg:$0x1d] =	wrdreg s31  }
0xa: {  	s21 =	simm.s32 $0x100;
	v13 =	vor.u32 $0xD0, v0;
	v14 =	vor.u32 $0xE0, v0;
	v15 =	vor.u32 $0xF0, v0;
	s2 =	simm.s32 $0x0;
	[dreg:$0x1f] =	wrdreg s0  }
.LBB2_1:
0xb: {  	[smem:$0x7FD] =	sst s2  }
0xc: {  	s0 =	rddreg [dreg:$0x1a];
	s1 =	simm.s32 $0x0;
	s30 =	simm.s32 $0x5  }
0xd: {  	[tilespmem:s10], [sflag:$0x5] =	stream.linear.gather [hbm4b:s0+s1], $0x6800, $0x38;
	[tilespmem:$0x1FA00] =	vst v63  }
0xe: {  	_ =	swait.ge [sflag:s30], $0x6800  }
0xf: {  	[sflag:s30] =	ssyncset.done $0x0  }
0x10: {  	s2 =	simm.s32 $0x0;
	s31 =	rddreg [dreg:$0x1d];
	[sflag:s30] =	ssyncadd.s32 $0xFFFF9800  }
0x11: {  	[tilespmem:s1], [sflag:$0x1] =	stream.linear.gather [hbm4b:s31+s1], $0xC8, $0x38;
	[tilespmem:$0x1FA00] =	vst v63  }
.LBB2_2:
0x12: {  	s1 =	sshll.u32 s2, $0x1;
	s0 =	rddreg [dreg:$0x1c]  }
0x13: {  	[smem:$0x7F9] =	sst s1;
	s0 =	sor.u32 s0, s1  }
0x14: {  	s26 =	simm.s32 $0x1;
	[smem:$0x7FA] =	sst s0  }
0x15: {  	p0 =	seq.s32 s2, $0x0;
	s0 =	sor.u32 $0x1, s0;
	_ =	swait.ge [sflag:s26], $0xC8  }
0x16: {  	s1 =	simm.s32 $0x2;
	[smem:$0x7FB] =	sst s0;
	s0 =	smul.u32 $0x19, s0  }
0x17: {  	[sflag:s26] =	ssyncset.done $0x0;
	[smem:$0x7FC] =	sst s2;
	s2 =	simm.s32 $0x1  }
0x18: {  	[sflag:s26] =	ssyncadd.s32 $0xFFFFFF38;
	s0 =	sadd.s32 s19, s0;
	s19 =	simm.s32 $0x0  }
0x19: {  	v16 =	vmov s1;
	[tilespmem:s21], [sflag:$0x2] =	stream.linear.gather [hbm4b:s0+s19], $0xC8, $0x38;
	[tilespmem:$0x1FA00] =	vst v63  }
0x1a: {  	s17 =	simm.s32 $0x0;
	v16 =	vand.u32 $0xFFFFFFFE, v16;
	v17 =	vmov s2;
	s0 =	simm.s32 @!p0 $0x3  }
0x1b: {  	v18 =	vmov s17;
	v16 =	vbroadcast v16, $0x0;
	v17 =	vand.u32 $0xFFFFFFFD, v17;
	_ =	swait.ge @!p0 [sflag:s0], $0xC800  }
0x1c: {  	v18 =	vand.u32 $0xFFFFFFFC, v18;
	v17 =	vbroadcast v17, $0x0;
	[sflag:s0] =	ssyncset.done @!p0 $0x0  }
0x1d: {  	v18 =	vbroadcast v18, $0x0;
	[sflag:s0] =	ssyncadd.s32 @!p0 $0xFFFF3800  }
0x1e: {  	s3 =	simm.s32 $0x3;
	_ =	swait.ge @!p0 [sflag:s0], $0xC800  }
0x1f: {  	v19 =	vmov s3;
	[sflag:s0] =	ssyncset.done @!p0 $0x0  }
0x20: {  	[sflag:s0] =	ssyncadd.s32 @!p0 $0xFFFF3800  }
0x21: {  	v16 =	vld.idx.msk [tilespmem:v16+s19+$0x0], $0xffff  }
0x22: {  	v17 =	vld.idx.msk [tilespmem:v17+s19+$0x0], $0xffff  }
0x23: {  	v18 =	vld.idx.msk [tilespmem:v18+s19+$0x0], $0xffff  }
0x24: {  	v19 =	vld.idx.msk [tilespmem:v19+s19+$0x0], $0xffff;
	_ =	sdelay $0x1  }
0x25: {  	v25 =	vshll.u32 v16, $0x8  }
0x26: {  	v24 =	vshll.u32 v17, $0x8;
	v16 =	vor.u32 v0, v25  }
0x27: {  	v21 =	vshll.u32 v18, $0x8;
	v17 =	vor.u32 v0, v24  }
0x28: {  	v20 =	vshll.u32 v19, $0x8;
	v18 =	vor.u32 v0, v21  }
0x29: {  	v19 =	vor.u32 v0, v20;
	_ =	sdelay $0x1  }
0x2a: {  	v16 =	vld.idx.msk [tilespmem:v16+s10+$0x0], $0xffff  }
0x2b: {  	v22 =	vor.u32 v1, v25;
	v17 =	vld.idx.msk [tilespmem:v17+s10+$0x0], $0xffff  }
0x2c: {  	s5 =	simm.s32 $0x100;
	s4 =	sand.u32 $0xF800, s17;
	v23 =	vor.u32 v1, v24;
	v18 =	vld.idx.msk [tilespmem:v18+s10+$0x0], $0xffff  }
0x2d: {  	s6 =	simm.s32 $0x80;
	s1 =	sand.u32 $0x300, s5;
	s0 =	sor.u32 $0x200, s4;
	v26 =	vor.u32 v1, v21;
	v19 =	vld.idx.msk [tilespmem:v19+s10+$0x0], $0xffff  }
0x2e: {  	s3 =	simm.s32 $0x0;
	s4 =	sand.u32 $0x280, s6;
	s7 =	sadd.s32 s1, s0;
	v27 =	vor.u32 v1, v20  }
0x2f: {  	s5 =	simm.s32 $0x180;
	s8 =	sand.u32 $0x200, s3;
	s9 =	sadd.s32 s4, s0;
	[tilespmem:s7+$0x0] =	vst v16  }
0x30: {  	s11 =	sand.u32 $0x380, s5;
	s1 =	sadd.s32 s8, s0;
	[tilespmem:s9+$0x0] =	vst v17;
	v16 =	vld.idx.msk [tilespmem:v22+s10+$0x0], $0xffff  }
0x31: {  	s0 =	sadd.s32 s11, s0;
	[tilespmem:s1+$0x0] =	vst v18;
	v18 =	vor.u32 v2, v25;
	v17 =	vld.idx.msk [tilespmem:v23+s10+$0x0], $0xffff  }
0x32: {  	[tilespmem:s0+$0x0] =	vst v19;
	v22 =	vld.idx.msk [tilespmem:v26+s10+$0x0], $0xffff;
	v23 =	vor.u32 v2, v24  }
0x33: {  	v19 =	vld.idx.msk [tilespmem:v27+s10+$0x0], $0xffff;
	v26 =	vor.u32 v2, v21  }
0x34: {  	v27 =	vor.u32 v2, v20  }
0x35: {  	[tilespmem:s7+$0x10] =	vst v16  }
0x36: {  	[tilespmem:s9+$0x10] =	vst v17;
	v16 =	vld.idx.msk [tilespmem:v18+s10+$0x0], $0xffff  }
0x37: {  	[tilespmem:s1+$0x10] =	vst v22;
	v17 =	vld.idx.msk [tilespmem:v23+s10+$0x0], $0xffff;
	v18 =	vor.u32 v3, v25  }
0x38: {  	[tilespmem:s0+$0x10] =	vst v19;
	v22 =	vld.idx.msk [tilespmem:v26+s10+$0x0], $0xffff;
	v23 =	vor.u32 v3, v24  }
0x39: {  	v19 =	vld.idx.msk [tilespmem:v27+s10+$0x0], $0xffff;
	v26 =	vor.u32 v3, v21  }
0x3a: {  	v27 =	vor.u32 v3, v20  }
0x3b: {  	[tilespmem:s7+$0x20] =	vst v16  }
0x3c: {  	[tilespmem:s9+$0x20] =	vst v17;
	v16 =	vld.idx.msk [tilespmem:v18+s10+$0x0], $0xffff  }
0x3d: {  	[tilespmem:s1+$0x20] =	vst v22;
	v17 =	vld.idx.msk [tilespmem:v23+s10+$0x0], $0xffff;
	v18 =	vor.u32 v4, v25  }
0x3e: {  	[tilespmem:s0+$0x20] =	vst v19;
	v22 =	vld.idx.msk [tilespmem:v26+s10+$0x0], $0xffff;
	v23 =	vor.u32 v4, v24  }
0x3f: {  	v19 =	vld.idx.msk [tilespmem:v27+s10+$0x0], $0xffff;
	v26 =	vor.u32 v4, v21  }
0x40: {  	v27 =	vor.u32 v4, v20  }
0x41: {  	[tilespmem:s7+$0x30] =	vst v16  }
0x42: {  	[tilespmem:s9+$0x30] =	vst v17;
	v16 =	vld.idx.msk [tilespmem:v18+s10+$0x0], $0xffff  }
0x43: {  	[tilespmem:s1+$0x30] =	vst v22;
	v17 =	vld.idx.msk [tilespmem:v23+s10+$0x0], $0xffff;
	v18 =	vor.u32 v5, v25  }
0x44: {  	[tilespmem:s0+$0x30] =	vst v19;
	v22 =	vld.idx.msk [tilespmem:v26+s10+$0x0], $0xffff;
	v23 =	vor.u32 v5, v24  }
0x45: {  	v19 =	vld.idx.msk [tilespmem:v27+s10+$0x0], $0xffff;
	v26 =	vor.u32 v5, v21  }
0x46: {  	v27 =	vor.u32 v5, v20  }
0x47: {  	[tilespmem:s7+$0x40] =	vst v16  }
0x48: {  	[tilespmem:s9+$0x40] =	vst v17;
	v16 =	vld.idx.msk [tilespmem:v18+s10+$0x0], $0xffff  }
0x49: {  	[tilespmem:s1+$0x40] =	vst v22;
	v17 =	vld.idx.msk [tilespmem:v23+s10+$0x0], $0xffff;
	v18 =	vor.u32 v6, v25  }
0x4a: {  	[tilespmem:s0+$0x40] =	vst v19;
	v22 =	vld.idx.msk [tilespmem:v26+s10+$0x0], $0xffff;
	v23 =	vor.u32 v6, v24  }
0x4b: {  	s16 =	simm.s32 $0x4;
	v26 =	vld.idx.msk [tilespmem:v27+s10+$0x0], $0xffff;
	v27 =	vor.u32 v6, v21  }
0x4c: {  	v28 =	vor.u32 v6, v20;
	v19 =	vmov s16  }
0x4d: {  	v19 =	vand.u32 $0xFFFFFFFC, v19;
	[tilespmem:s7+$0x50] =	vst v16  }
0x4e: {  	v19 =	vbroadcast v19, $0x0;
	[tilespmem:s9+$0x50] =	vst v17;
	v16 =	vld.idx.msk [tilespmem:v18+s10+$0x0], $0xffff  }
0x4f: {  	[tilespmem:s1+$0x50] =	vst v22;
	v17 =	vld.idx.msk [tilespmem:v23+s10+$0x0], $0xffff  }
0x50: {  	s13 =	simm.s32 $0x5;
	[tilespmem:s0+$0x50] =	vst v26;
	v18 =	vor.u32 v7, v25;
	v23 =	vld.idx.msk [tilespmem:v27+s10+$0x0], $0xffff  }
0x51: {  	v22 =	vmov s13;
	v27 =	vor.u32 v7, v24;
	v26 =	vld.idx.msk [tilespmem:v28+s10+$0x0], $0xffff  }
0x52: {  	s14 =	simm.s32 $0x6;
	v31 =	vor.u32 v7, v20;
	v22 =	vand.u32 $0xFFFFFFFD, v22  }
0x53: {  	v30 =	vor.u32 v7, v21;
	v28 =	vmov s14;
	v22 =	vbroadcast v22, $0x0  }
0x54: {  	s12 =	simm.s32 $0x7;
	v28 =	vand.u32 $0xFFFFFFFE, v28;
	v19 =	vld.idx.msk [tilespmem:v19+s19+$0x0], $0xffff;
	[tilespmem:s7+$0x60] =	vst v16  }
0x55: {  	v29 =	vmov s12;
	v16 =	vbroadcast v28, $0x0;
	[tilespmem:s9+$0x60] =	vst v17;
	v17 =	vld.idx.msk [tilespmem:v18+s10+$0x0], $0xffff  }
0x56: {  	[tilespmem:s0+$0x60] =	vst v26;
	v18 =	vld.idx.msk [tilespmem:v27+s10+$0x0], $0xffff  }
0x57: {  	s15 =	simm.s32 $0x8;
	[tilespmem:s1+$0x60] =	vst v23;
	v23 =	vor.u32 v8, v25;
	v26 =	vld.idx.msk [tilespmem:v31+s10+$0x0], $0xffff  }
0x58: {  	v28 =	vor.u32 v8, v24;
	v27 =	vld.idx.msk [tilespmem:v30+s10+$0x0], $0xffff;
	v30 =	vmov s15  }
0x59: {  	v31 =	vor.u32 v8, v21;
	v32 =	vld.idx.msk [tilespmem:v22+s19+$0x0], $0xffff;
	v22 =	vand.u32 $0xFFFFFFFC, v30  }
0x5a: {  	v29 =	vld.idx.msk [tilespmem:v29+s19+$0x0], $0xffff;
	v30 =	vor.u32 v8, v20;
	v33 =	vbroadcast v22, $0x0;
	[tilespmem:s7+$0x70] =	vst v17  }
0x5b: {  	v16 =	vld.idx.msk [tilespmem:v16+s19+$0x0], $0xffff;
	[tilespmem:s9+$0x70] =	vst v18;
	v17 =	vshll.u32 v19, $0x8  }
0x5c: {  	s18 =	simm.s32 $0xB;
	s20 =	sand.u32 $0x3, s17;
	[tilespmem:s0+$0x70] =	vst v26;
	v18 =	vld.idx.msk [tilespmem:v23+s10+$0x0], $0xffff;
	v26 =	vor.u32 v0, v17  }
0x5d: {  	p1 =	por $0x0, $0x0;
	s2 =	sshll.u32 s20, $0x8;
	s21 =	sand.u32 $0x7, s17;
	[tilespmem:s1+$0x70] =	vst v27;
	v27 =	vor.u32 v9, v25;
	v28 =	vld.idx.msk [tilespmem:v28+s10+$0x0], $0xffff  }
0x5e: {  	s2 =	sadd.s32 $0x0, s2;
	s22 =	sshll.u32 s21, $0x7;
	s4 =	simm.s32 $0x1;
	v34 =	vor.u32 v9, v24;
	v31 =	vld.idx.msk [tilespmem:v31+s10+$0x0], $0xffff  }
0x5f: {  	s4 =	simm.s32 @!p1 $0x0;
	v35 =	vor.u32 v9, v21;
	v22 =	vmov s18;
	s18 =	sadd.s32 $0x100, s2;
	s1 =	sadd.s32 $0x0, s22;
	v30 =	vld.idx.msk [tilespmem:v30+s10+$0x0], $0xffff  }
0x60: {  	s4 =	sshll.u32 s4, $0x9;
	v57 =	vor.u32 v9, v20;
	s2 =	sor.u32 $0x400, s18;
	s3 =	sadd.s32 $0x80, s1;
	v23 =	vld.idx.msk [tilespmem:v33+s19+$0x0], $0xffff;
	v19 =	vshll.u32 v16, $0x8  }
0x61: {  	s23 =	sor.u32 $0x400, s3;
	v16 =	vshll.u32 v32, $0x8;
	[tilespmem:s2+$0x200] =	vst v18;
	s2 =	sadd.s32 $0x0, s4;
	v58 =	vor.u32 v0, v19;
	v26 =	vld.idx.msk [tilespmem:v26+s10+$0x0], $0xffff  }
0x62: {  	[tilespmem:s23+$0x200] =	vst v28;
	s4 =	sadd.s32 $0x180, s1;
	v28 =	vor.u32 v0, v16;
	v27 =	vld.idx.msk [tilespmem:v27+s10+$0x0], $0xffff;
	s24 =	sor.u32 $0x400, s2  }
0x63: {  	v34 =	vld.idx.msk [tilespmem:v34+s10+$0x0], $0xffff;
	s25 =	sor.u32 $0x400, s4;
	[tilespmem:s24+$0x200] =	vst v31;
	v31 =	vor.u32 v10, v25  }
0x64: {  	v59 =	vor.u32 v10, v24;
	v18 =	vshll.u32 v29, $0x8;
	[tilespmem:s25+$0x200] =	vst v30;
	v29 =	vld.idx.msk [tilespmem:v35+s10+$0x0], $0xffff  }
0x65: {  	v30 =	vor.u32 v0, v18;
	v33 =	vld.idx.msk [tilespmem:v57+s10+$0x0], $0xffff  }
0x66: {  	v36 =	vor.u32 v10, v21;
	s26 =	sor.u32 $0x410, s18;
	v32 =	vld.idx.msk [tilespmem:v58+s10+$0x0], $0xffff  }
0x67: {  	s12 =	simm.s32 $0x200;
	s6 =	sor.u32 $0x410, s3;
	s1 =	simm.s32 $0x400;
	v28 =	vld.idx.msk [tilespmem:v28+s10+$0x0], $0xffff;
	[tilespmem:s26+$0x200] =	vst v27;
	v27 =	vor.u32 v10, v20  }
0x68: {  	s8 =	simm.s32 $0x300;
	v37 =	vor.u32 v1, v19;
	s0 =	sor.u32 $0x410, s2;
	s9 =	sand.u32 $0xF800, s1;
	[tilespmem:s6+$0x200] =	vst v34;
	v31 =	vld.idx.msk [tilespmem:v31+s10+$0x0], $0xffff  }
0x69: {  	s13 =	sand.u32 $0x200, s12;
	v60 =	vor.u32 v1, v16;
	s7 =	sor.u32 $0x410, s4;
	s6 =	sor.u32 $0x200, s9;
	v35 =	vld.idx.msk [tilespmem:v59+s10+$0x0], $0xffff;
	[tilespmem:s0+$0x200] =	vst v29  }
0x6a: {  	s8 =	sand.u32 $0x300, s8;
	s9 =	simm.s32 $0x280;
	s12 =	sadd.s32 s13, s6;
	v29 =	vld.idx.msk [tilespmem:v30+s10+$0x0], $0xffff;
	v30 =	vor.u32 v11, v25;
	[tilespmem:s7+$0x200] =	vst v33  }
0x6b: {  	v61 =	vor.u32 v1, v17;
	s11 =	sand.u32 $0x280, s9;
	s22 =	sadd.s32 s8, s6;
	[tilespmem:s12+$0x0] =	vst v26;
	v36 =	vld.idx.msk [tilespmem:v36+s10+$0x0], $0xffff  }
0x6c: {  	v63 =	vor.u32 v11, v24;
	s23 =	sadd.s32 s11, s6;
	[tilespmem:s22+$0x0] =	vst v32;
	v27 =	vld.idx.msk [tilespmem:v27+s10+$0x0], $0xffff  }
0x6d: {  	s14 =	sor.u32 $0x420, s18;
	v62 =	vor.u32 v1, v18;
	s11 =	simm.s32 $0x380;
	[tilespmem:s23+$0x0] =	vst v28;
	v28 =	vld.idx.msk [tilespmem:v37+s10+$0x0], $0xffff  }
0x6e: {  	v40 =	vor.u32 v11, v21;
	s20 =	sor.u32 $0x420, s3;
	s15 =	sand.u32 $0x380, s11;
	[tilespmem:s14+$0x200] =	vst v31;
	v31 =	vld.idx.msk [tilespmem:v60+s10+$0x0], $0xffff  }
0x6f: {  	v26 =	vor.u32 v2, v19;
	s21 =	sadd.s32 s15, s6;
	[tilespmem:s20+$0x200] =	vst v35;
	v30 =	vld.idx.msk [tilespmem:v30+s10+$0x0], $0xffff  }
0x70: {  	v41 =	vor.u32 v2, v16;
	s24 =	sor.u32 $0x420, s2;
	[tilespmem:s21+$0x0] =	vst v29;
	v29 =	vld.idx.msk [tilespmem:v61+s10+$0x0], $0xffff  }
0x71: {  	v42 =	vor.u32 v12, v25;
	v37 =	vld.idx.msk [tilespmem:v63+s10+$0x0], $0xffff;
	[tilespmem:s24+$0x200] =	vst v36  }
0x72: {  	v43 =	vor.u32 v2, v17;
	s26 =	sor.u32 $0x420, s4;
	v32 =	vld.idx.msk [tilespmem:v62+s10+$0x0], $0xffff;
	[tilespmem:s22+$0x10] =	vst v28  }
0x73: {  	v44 =	vor.u32 v12, v24;
	v34 =	vld.idx.msk [tilespmem:v40+s10+$0x0], $0xffff;
	[tilespmem:s26+$0x200] =	vst v27  }
0x74: {  	s25 =	sor.u32 $0x430, s18;
	v28 =	vor.u32 v2, v18;
	[tilespmem:s23+$0x10] =	vst v31;
	v26 =	vld.idx.msk [tilespmem:v26+s10+$0x0], $0xffff  }
0x75: {  	[tilespmem:s25+$0x200] =	vst v30;
	v30 =	vld.idx.msk [tilespmem:v41+s10+$0x0], $0xffff  }
0x76: {  	s0 =	sor.u32 $0x430, s3;
	v31 =	vor.u32 v11, v20;
	[tilespmem:s12+$0x10] =	vst v29;
	v35 =	vld.idx.msk [tilespmem:v42+s10+$0x0], $0xffff  }
0x77: {  	v29 =	vor.u32 v3, v19;
	[tilespmem:s0+$0x200] =	vst v37;
	v45 =	vld.idx.msk [tilespmem:v43+s10+$0x0], $0xffff  }
0x78: {  	v46 =	vor.u32 v3, v16;
	s8 =	sor.u32 $0x430, s2;
	[tilespmem:s21+$0x10] =	vst v32;
	v33 =	vld.idx.msk [tilespmem:v44+s10+$0x0], $0xffff  }
0x79: {  	[tilespmem:s8+$0x200] =	vst v34;
	v27 =	vld.idx.msk [tilespmem:v28+s10+$0x0], $0xffff;
	v28 =	vor.u32 v13, v25  }
0x7a: {  	v47 =	vor.u32 v3, v17;
	v22 =	vld.idx.msk [tilespmem:v22+s19+$0x0], $0xffff;
	[tilespmem:s22+$0x20] =	vst v26  }
0x7b: {  	s7 =	sor.u32 $0x440, s18;
	v31 =	vld.idx.msk [tilespmem:v31+s10+$0x0], $0xffff;
	v26 =	vor.u32 v3, v18;
	[tilespmem:s23+$0x20] =	vst v30  }
0x7c: {  	v29 =	vld.idx.msk [tilespmem:v29+s10+$0x0], $0xffff;
	v30 =	vor.u32 v12, v21;
	[tilespmem:s7+$0x200] =	vst v35  }
0x7d: {  	v49 =	vor.u32 v12, v20;
	s14 =	sor.u32 $0x440, s3;
	v48 =	vld.idx.msk [tilespmem:v46+s10+$0x0], $0xffff;
	[tilespmem:s12+$0x20] =	vst v45  }
0x7e: {  	v50 =	vor.u32 v4, v19;
	[tilespmem:s14+$0x200] =	vst v33;
	v28 =	vld.idx.msk [tilespmem:v28+s10+$0x0], $0xffff  }
0x7f: {  	v52 =	vor.u32 v4, v16;
	s9 =	sor.u32 $0x430, s4;
	[tilespmem:s21+$0x20] =	vst v27;
	v27 =	vld.idx.msk [tilespmem:v47+s10+$0x0], $0xffff  }
0x80: {  	v51 =	vor.u32 v14, v25;
	v26 =	vld.idx.msk [tilespmem:v26+s10+$0x0], $0xffff;
	[tilespmem:s9+$0x200] =	vst v31  }
0x81: {  	v31 =	vor.u32 v4, v17;
	v30 =	vld.idx.msk [tilespmem:v30+s10+$0x0], $0xffff;
	[tilespmem:s22+$0x30] =	vst v29  }
0x82: {  	s13 =	sor.u32 $0x450, s18;
	v29 =	vor.u32 v4, v18;
	v36 =	vld.idx.msk [tilespmem:v49+s10+$0x0], $0xffff;
	[tilespmem:s23+$0x30] =	vst v48  }
0x83: {  	v32 =	vld.idx.msk [tilespmem:v50+s10+$0x0], $0xffff;
	[tilespmem:s13+$0x200] =	vst v28  }
0x84: {  	v54 =	vld.idx.msk [tilespmem:v52+s10+$0x0], $0xffff;
	[tilespmem:s12+$0x30] =	vst v27  }
0x85: {  	v53 =	vor.u32 v13, v24;
	s15 =	sor.u32 $0x440, s2;
	v27 =	vld.idx.msk [tilespmem:v51+s10+$0x0], $0xffff;
	[tilespmem:s21+$0x30] =	vst v26  }
0x86: {  	s20 =	sor.u32 $0x460, s3;
	v31 =	vld.idx.msk [tilespmem:v31+s10+$0x0], $0xffff;
	[tilespmem:s15+$0x200] =	vst v30  }
0x87: {  	s24 =	sor.u32 $0x460, s4;
	v29 =	vld.idx.msk [tilespmem:v29+s10+$0x0], $0xffff;
	[dreg:$0xf] =	wrdreg s20  }
0x88: {  	v28 =	vor.u32 v13, v21;
	[dreg:$0xc] =	wrdreg s24  }
0x89: {  	s26 =	sor.u32 $0x460, s2;
	v25 =	vor.u32 v15, v25;
	[tilespmem:s22+$0x40] =	vst v32  }
0x8a: {  	s14 =	sor.u32 $0x450, s3;
	s3 =	sor.u32 $0x470, s3;
	v35 =	vld.idx.msk [tilespmem:v53+s10+$0x0], $0xffff;
	[dreg:$0x10] =	wrdreg s26  }
0x8b: {  	s25 =	sor.u32 $0x460, s18;
	v26 =	vor.u32 v5, v19;
	[dreg:$0xb] =	wrdreg s3  }
0x8c: {  	v55 =	vor.u32 v5, v16;
	[tilespmem:s25+$0x200] =	vst v27  }
0x8d: {  	s5 =	sor.u32 $0x470, s4;
	s13 =	sand.u32 $0x7, s16;
	v30 =	vor.u32 v5, v17;
	v28 =	vld.idx.msk [tilespmem:v28+s10+$0x0], $0xffff;
	[tilespmem:s23+$0x40] =	vst v54  }
0x8e: {  	s13 =	sshll.u32 s13, $0x7;
	v25 =	vld.idx.msk [tilespmem:v25+s10+$0x0], $0xffff;
	[dreg:$0x9] =	wrdreg s5  }
0x8f: {  	s6 =	sor.u32 $0x450, s4;
	s9 =	sor.u32 $0x440, s4;
	s4 =	sadd.s32 $0x400, s13;
	[tilespmem:s12+$0x40] =	vst v31  }
0x90: {  	v56 =	vor.u32 v5, v18;
	s20 =	sadd.s32 $0x80, s4;
	v26 =	vld.idx.msk [tilespmem:v26+s10+$0x0], $0xffff;
	[tilespmem:s21+$0x40] =	vst v29  }
0x91: {  	s24 =	sor.u32 $0x410, s20;
	v27 =	vor.u32 v13, v20;
	v31 =	vld.idx.msk [tilespmem:v55+s10+$0x0], $0xffff;
	[tilespmem:s9+$0x200] =	vst v36  }
0x92: {  	v58 =	vor.u32 v14, v24;
	v30 =	vld.idx.msk [tilespmem:v30+s10+$0x0], $0xffff;
	[dreg:$0xd] =	wrdreg s24  }
0x93: {  	v60 =	vor.u32 v6, v19;
	s25 =	sor.u32 $0x470, s18;
	[tilespmem:s14+$0x200] =	vst v35  }
0x94: {  	s26 =	sor.u32 $0x430, s20;
	[tilespmem:s25+$0x200] =	vst v25  }
0x95: {  	s15 =	simm.s32 $0x9;
	v32 =	vld.idx.msk [tilespmem:v56+s10+$0x0], $0xffff;
	[dreg:$0x5] =	wrdreg s26  }
0x96: {  	v57 =	vmov s15;
	s4 =	sadd.s32 $0x180, s4;
	v38 =	vld.idx.msk [tilespmem:v27+s10+$0x0], $0xffff;
	[tilespmem:s22+$0x50] =	vst v26  }
0x97: {  	p1 =	por !p1, !p1;
	v61 =	vor.u32 v6, v16;
	v59 =	vand.u32 $0xFFFFFFFD, v57;
	s3 =	sor.u32 $0x400, s4;
	v25 =	vld.idx.msk [tilespmem:v58+s10+$0x0], $0xffff;
	[tilespmem:s23+$0x50] =	vst v31  }
0x98: {  	s7 =	simm.s32 $0x1;
	v29 =	vbroadcast v59, $0x0;
	s9 =	sor.u32 $0x410, s4;
	v27 =	vld.idx.msk [tilespmem:v60+s10+$0x0], $0xffff;
	[dreg:$0x11] =	wrdreg s3  }
0x99: {  	s7 =	simm.s32 @!p1 $0x0;
	s13 =	sor.u32 $0x420, s4;
	[dreg:$0xa] =	wrdreg s9  }
0x9a: {  	v62 =	vor.u32 v6, v17;
	s8 =	sor.u32 $0x450, s2;
	s15 =	sshll.u32 s7, $0x9;
	[dreg:$0x6] =	wrdreg s13  }
0x9b: {  	s5 =	sor.u32 $0x470, s2;
	s2 =	sadd.s32 $0x400, s15;
	s15 =	sor.u32 $0x430, s4;
	[tilespmem:s8+$0x200] =	vst v28  }
0x9c: {  	s7 =	sor.u32 $0x400, s20;
	s30 =	sor.u32 $0x420, s20;
	v28 =	vld.idx.msk [tilespmem:v61+s10+$0x0], $0xffff;
	[dreg:$0x4] =	wrdreg s15  }
0x9d: {  	v39 =	vor.u32 v6, v18;
	s29 =	sor.u32 $0x460, s20;
	s31 =	sor.u32 $0x460, s4;
	s28 =	sor.u32 $0x470, s4;
	[tilespmem:s12+$0x50] =	vst v30  }
0x9e: {  	v63 =	vor.u32 v14, v21;
	s18 =	sor.u32 $0x470, s20;
	s24 =	sor.u32 $0x440, s20;
	v26 =	vld.idx.msk [tilespmem:v29+s19+$0x0], $0xffff;
	[tilespmem:s21+$0x50] =	vst v32;
	s19 =	sor.u32 $0x410, s2  }
0x9f: {  	s14 =	sor.u32 $0x450, s20;
	s20 =	sor.u32 $0x420, s2;
	v29 =	vld.idx.msk [tilespmem:v62+s10+$0x0], $0xffff;
	[dreg:$0xe] =	wrdreg s19  }
0xa0: {  	s25 =	simm.s32 $0xA;
	s26 =	sor.u32 $0x430, s2;
	[dreg:$0x8] =	wrdreg s20  }
0xa1: {  	v36 =	vmov s25;
	s25 =	sor.u32 $0x460, s2;
	s13 =	sor.u32 $0x450, s4;
	s9 =	simm.s32 $0xC;
	[tilespmem:s6+$0x200] =	vst v38  }
0xa2: {  	v34 =	vor.u32 v7, v16;
	s8 =	sor.u32 $0x450, s2;
	s15 =	sor.u32 $0x440, s4;
	v32 =	vor.u32 v14, v20;
	v30 =	vld.idx.msk [tilespmem:v39+s10+$0x0], $0xffff;
	[dreg:$0x7] =	wrdreg s26  }
0xa3: {  	v33 =	vor.u32 v15, v24;
	v24 =	vor.u32 v7, v17;
	v31 =	vor.u32 v7, v19;
	s4 =	sor.u32 $0x400, s2;
	s19 =	sor.u32 $0x470, s2;
	s26 =	sor.u32 $0x440, s2;
	v35 =	vld.idx.msk [tilespmem:v63+s10+$0x0], $0xffff  }
.LBB2_3:
0xa4: {  	_ = 	snop  }
0xa5: {  	v36 =	vand.u32 $0xFFFFFFFE, v36  }
0xa6: {  	v36 =	vbroadcast v36, $0x0;
	[tilespmem:s12+$0x60] =	vst v29  }
0xa7: {  	[dreg:$0x14] =	wrdreg s13;
	v32 =	vld.idx.msk [tilespmem:v32+s10+$0x0], $0xffff;
	[tilespmem:s22+$0x60] =	vst v27  }
0xa8: {  	[dreg:$0x13] =	wrdreg s8;
	v27 =	vor.u32 v7, v18;
	[tilespmem:s23+$0x60] =	vst v28;
	v24 =	vld.idx.msk [tilespmem:v24+s10+$0x0], $0xffff  }
0xa9: {  	s0 =	rddreg [dreg:$0xf];
	[tilespmem:s21+$0x60] =	vst v30;
	v28 =	vld.idx.msk [tilespmem:v31+s10+$0x0], $0xffff;
	v31 =	vor.u32 v15, v21  }
0xaa: {  	s3 =	smov.u32 s29;
	s6 =	rddreg [dreg:$0x10];
	v30 =	vor.u32 v15, v20;
	v21 =	vmov v17;
	v17 =	vld.idx.msk [tilespmem:v34+s10+$0x0], $0xffff;
	[tilespmem:s0+$0x200] =	vst v25  }
0xab: {  	[dreg:$0xf] =	wrdreg s3;
	s3 =	simm.s32 $0x0;
	v25 =	vor.u32 v8, v19;
	v29 =	vld.idx.msk [tilespmem:v33+s10+$0x0], $0xffff  }
0xac: {  	v46 =	vor.u32 v8, v16;
	s8 =	smov.u32 s25;
	s13 =	rddreg [dreg:$0xc];
	[tilespmem:s6+$0x200] =	vst v35;
	v48 =	vld.idx.msk [tilespmem:v36+s3+$0x0], $0xffff  }
0xad: {  	s20 =	smov.u32 s31;
	s2 =	sadd.s32 $0x3, s9;
	s25 =	rddreg [dreg:$0xb];
	v20 =	vmov v18;
	v18 =	vmov s9;
	v47 =	vor.u32 v8, v21;
	v27 =	vld.idx.msk [tilespmem:v27+s10+$0x0], $0xffff;
	[tilespmem:s13+$0x200] =	vst v32  }
0xae: {  	s17 =	sadd.s32 $0x2, s17;
	p1 =	por !p1, !p1;
	[dreg:$0x10] =	wrdreg s8;
	v18 =	vand.u32 $0xFFFFFFFC, v18;
	v31 =	vld.idx.msk [tilespmem:v31+s10+$0x0], $0xffff;
	[tilespmem:s22+$0x70] =	vst v28;
	v28 =	vor.u32 v8, v20  }
0xaf: {  	s16 =	sadd.s32 $0x4, s16;
	s11 =	sadd.s32 $0x200, s11;
	[dreg:$0xc] =	wrdreg s20;
	v49 =	vmov s2;
	v18 =	vbroadcast v18, $0x0;
	[tilespmem:s23+$0x70] =	vst v17;
	v30 =	vld.idx.msk [tilespmem:v30+s10+$0x0], $0xffff  }
0xb0: {  	[dreg:$0x3] =	wrdreg s17;
	s8 =	smov.u32 s19;
	s23 =	sand.u32 $0x3, s17;
	[tilespmem:s12+$0x70] =	vst v24;
	v50 =	vld.idx.msk [tilespmem:v25+s10+$0x0], $0xffff  }
0xb1: {  	s31 =	smov.u32 s15;
	[dreg:$0x12] =	wrdreg s8;
	v33 =	vld.idx.msk [tilespmem:v46+s10+$0x0], $0xffff;
	[tilespmem:s25+$0x200] =	vst v29;
	s2 =	sshll.u32 s23, $0x8;
	v29 =	vor.u32 v9, v19  }
0xb2: {  	v37 =	vor.u32 v9, v16;
	s6 =	smov.u32 s18;
	s18 =	rddreg [dreg:$0x11];
	v24 =	vshll.u32 v26, $0x8;
	v34 =	vld.idx.msk [tilespmem:v47+s10+$0x0], $0xffff;
	s2 =	sadd.s32 s1, s2;
	[tilespmem:s21+$0x70] =	vst v27  }
0xb3: {  	s20 =	sand.u32 $0x7, s16;
	[dreg:$0xb] =	wrdreg s6;
	v53 =	vor.u32 v0, v24;
	v25 =	vshll.u32 v48, $0x8;
	s17 =	sadd.s32 $0x100, s2;
	v28 =	vld.idx.msk [tilespmem:v28+s10+$0x0], $0xffff  }
0xb4: {  	s13 =	smov.u32 s28;
	v17 =	vshll.u32 v23, $0x8;
	s12 =	rddreg [dreg:$0x9];
	v26 =	vor.u32 v0, v25;
	s2 =	sor.u32 $0x400, s17;
	[tilespmem:s5+$0x200] =	vst v31;
	v31 =	vld.idx.msk [tilespmem:v49+s3+$0x0], $0xffff  }
0xb5: {  	s0 =	simm.s32 $0x1;
	s6 =	sadd.s32 $0xFFFFFE80, s11;
	[dreg:$0x9] =	wrdreg s13;
	v27 =	vor.u32 v0, v17;
	v23 =	vld.idx.msk [tilespmem:v18+s3+$0x0], $0xffff;
	[tilespmem:s2+$0x200] =	vst v50  }
0xb6: {  	v51 =	vor.u32 v9, v21;
	s0 =	simm.s32 @!p1 $0x0;
	s6 =	sand.u32 $0x200, s6;
	s13 =	rddreg [dreg:$0xa];
	[tilespmem:s7+$0x200] =	vst v33;
	v29 =	vld.idx.msk [tilespmem:v29+s10+$0x0], $0xffff  }
0xb7: {  	v52 =	vor.u32 v9, v20;
	s0 =	sshll.u32 s0, $0x9;
	s23 =	rddreg [dreg:$0xd];
	s1 =	sadd.s32 $0x400, s1;
	v54 =	vld.idx.msk [tilespmem:v37+s10+$0x0], $0xffff  }
0xb8: {  	s25 =	sand.u32 $0xF800, s1;
	s19 =	sor.u32 $0x410, s17;
	s21 =	sshll.u32 s20, $0x7;
	[tilespmem:s12+$0x200] =	vst v30;
	v30 =	vor.u32 v10, v19;
	v33 =	vld.idx.msk [tilespmem:v53+s10+$0x0], $0xffff  }
0xb9: {  	v55 =	vor.u32 v10, v16;
	s5 =	sadd.s32 $0xFFFFFF00, s11;
	s12 =	rddreg [dreg:$0xe];
	s2 =	sadd.s32 s1, s21;
	v26 =	vld.idx.msk [tilespmem:v26+s10+$0x0], $0xffff  }
0xba: {  	v56 =	vor.u32 v1, v25;
	v18 =	vshll.u32 v22, $0x8;
	s3 =	sadd.s32 $0xFFFFFF80, s11;
	s8 =	sand.u32 $0x280, s5;
	s5 =	sadd.s32 $0x80, s2;
	v27 =	vld.idx.msk [tilespmem:v27+s10+$0x0], $0xffff;
	[tilespmem:s4+$0x200] =	vst v34  }
0xbb: {  	s7 =	sand.u32 $0x300, s3;
	s20 =	sadd.s32 $0x180, s2;
	s3 =	sor.u32 $0x410, s5;
	v34 =	vld.idx.msk [tilespmem:v51+s10+$0x0], $0xffff;
	[tilespmem:s18+$0x200] =	vst v28;
	v28 =	vor.u32 v0, v18  }
0xbc: {  	v57 =	vor.u32 v1, v24;
	s28 =	sor.u32 $0x450, s20;
	s29 =	sor.u32 $0x460, s5;
	s4 =	sor.u32 $0x200, s25;
	v32 =	vld.idx.msk [tilespmem:v52+s10+$0x0], $0xffff;
	[tilespmem:s19+$0x200] =	vst v29  }
0xbd: {  	s25 =	sor.u32 $0x400, s20;
	[dreg:$0xd] =	wrdreg s3;
	v22 =	vmov v31;
	v31 =	vor.u32 v10, v21;
	s22 =	sadd.s32 s7, s4;
	[tilespmem:s23+$0x200] =	vst v54;
	v30 =	vld.idx.msk [tilespmem:v30+s10+$0x0], $0xffff  }
0xbe: {  	[dreg:$0x15] =	wrdreg s28;
	s18 =	sand.u32 $0x380, s11;
	v29 =	vor.u32 v10, v20;
	s23 =	sadd.s32 s8, s4;
	v35 =	vld.idx.msk [tilespmem:v55+s10+$0x0], $0xffff;
	[tilespmem:s22+$0x0] =	vst v26  }
0xbf: {  	v38 =	vor.u32 v1, v17;
	s21 =	sadd.s32 s18, s4;
	s18 =	smov.u32 s24;
	s24 =	sadd.s32 s0, s1;
	[tilespmem:s23+$0x0] =	vst v33;
	v59 =	vld.idx.msk [tilespmem:v56+s10+$0x0], $0xffff  }
0xc0: {  	v58 =	vor.u32 v11, v19;
	s28 =	sor.u32 $0x430, s17;
	[dreg:$0x11] =	wrdreg s25;
	s2 =	sor.u32 $0x410, s24;
	v28 =	vld.idx.msk [tilespmem:v28+s10+$0x0], $0xffff;
	[tilespmem:s12+$0x200] =	vst v34  }
0xc1: {  	s8 =	sor.u32 $0x420, s5;
	v26 =	vor.u32 v1, v18;
	[dreg:$0xe] =	wrdreg s2;
	v36 =	vld.idx.msk [tilespmem:v57+s10+$0x0], $0xffff;
	s12 =	sadd.s32 s6, s4;
	[tilespmem:s13+$0x200] =	vst v32  }
0xc2: {  	v60 =	vor.u32 v11, v16;
	s19 =	sor.u32 $0x420, s17;
	s25 =	sor.u32 $0x450, s24;
	[dreg:$0x19] =	wrdreg s8;
	v31 =	vld.idx.msk [tilespmem:v31+s10+$0x0], $0xffff;
	[tilespmem:s12+$0x0] =	vst v27  }
0xc3: {  	s7 =	sor.u32 $0x400, s5;
	[dreg:$0x17] =	wrdreg s25;
	s25 =	sor.u32 $0x460, s20;
	v27 =	vor.u32 v2, v25;
	v29 =	vld.idx.msk [tilespmem:v29+s10+$0x0], $0xffff;
	[tilespmem:s19+$0x200] =	vst v30  }
0xc4: {  	v61 =	vor.u32 v11, v21;
	s0 =	sor.u32 $0x430, s20;
	[dreg:$0x16] =	wrdreg s25;
	s4 =	sor.u32 $0x410, s20;
	v62 =	vld.idx.msk [tilespmem:v38+s10+$0x0], $0xffff;
	[tilespmem:s30+$0x200] =	vst v35  }
0xc5: {  	v63 =	vor.u32 v2, v24;
	s3 =	sor.u32 $0x420, s24;
	s15 =	sor.u32 $0x430, s24;
	[dreg:$0xa] =	wrdreg s4;
	v30 =	vld.idx.msk [tilespmem:v58+s10+$0x0], $0xffff;
	[tilespmem:s21+$0x0] =	vst v28  }
0xc6: {  	v40 =	vor.u32 v2, v17;
	s8 =	sor.u32 $0x440, s24;
	s2 =	sor.u32 $0x440, s20;
	s19 =	rddreg [dreg:$0x8];
	[tilespmem:s22+$0x10] =	vst v59;
	v26 =	vld.idx.msk [tilespmem:v26+s10+$0x0], $0xffff  }
0xc7: {  	s4 =	smov.u32 s26;
	s26 =	sor.u32 $0x430, s5;
	s30 =	smov.u32 s14;
	v28 =	vor.u32 v12, v19;
	[tilespmem:s19+$0x200] =	vst v31;
	v31 =	vld.idx.msk [tilespmem:v60+s10+$0x0], $0xffff  }
0xc8: {  	v41 =	vor.u32 v2, v18;
	s14 =	sor.u32 $0x440, s5;
	[tilespmem:s23+$0x10] =	vst v36;
	s19 =	sor.u32 $0x450, s5;
	v27 =	vld.idx.msk [tilespmem:v27+s10+$0x0], $0xffff;
	s5 =	sor.u32 $0x470, s5  }
0xc9: {  	v45 =	vor.u32 v12, v16;
	s25 =	sor.u32 $0x460, s24;
	s13 =	sor.u32 $0x420, s20;
	v42 =	vld.idx.msk [tilespmem:v61+s10+$0x0], $0xffff;
	[tilespmem:s12+$0x10] =	vst v62;
	[dreg:$0x18] =	wrdreg s5  }
0xca: {  	v43 =	vor.u32 v11, v20;
	s6 =	sor.u32 $0x400, s24;
	v44 =	vld.idx.msk [tilespmem:v63+s10+$0x0], $0xffff;
	s5 =	smov.u32 s13;
	s13 =	rddreg [dreg:$0x5];
	[tilespmem:s28+$0x200] =	vst v30  }
0xcb: {  	v46 =	vor.u32 v3, v24;
	v34 =	vld.idx.msk [tilespmem:v40+s10+$0x0], $0xffff;
	s28 =	sor.u32 $0x470, s20;
	s20 =	sor.u32 $0x470, s24;
	s24 =	smov.u32 s3;
	[tilespmem:s21+$0x10] =	vst v26  }
0xcc: {  	v30 =	vor.u32 v3, v25;
	v28 =	vld.idx.msk [tilespmem:v28+s10+$0x0], $0xffff;
	[dreg:$0x8] =	wrdreg s24;
	[tilespmem:s13+$0x200] =	vst v31  }
0xcd: {  	v47 =	vor.u32 v13, v19;
	s24 =	rddreg [dreg:$0x6];
	[tilespmem:s22+$0x20] =	vst v27;
	v26 =	vld.idx.msk [tilespmem:v41+s10+$0x0], $0xffff  }
0xce: {  	[tilespmem:s24+$0x200] =	vst v29;
	v29 =	vor.u32 v3, v17;
	v48 =	vld.idx.msk [tilespmem:v45+s10+$0x0], $0xffff  }
0xcf: {  	v27 =	vor.u32 v3, v18;
	[tilespmem:s23+$0x20] =	vst v44;
	v31 =	vld.idx.msk [tilespmem:v43+s10+$0x0], $0xffff  }
0xd0: {  	v49 =	vor.u32 v12, v21;
	[dreg:$0x6] =	wrdreg s5;
	s5 =	sor.u32 $0x440, s17;
	v35 =	vld.idx.msk [tilespmem:v46+s10+$0x0], $0xffff;
	[tilespmem:s12+$0x20] =	vst v34  }
0xd1: {  	v51 =	vor.u32 v4, v24;
	v30 =	vld.idx.msk [tilespmem:v30+s10+$0x0], $0xffff;
	[tilespmem:s5+$0x200] =	vst v28  }
0xd2: {  	s13 =	rddreg [dreg:$0x7];
	v28 =	vor.u32 v12, v20;
	v32 =	vld.idx.msk [tilespmem:v47+s10+$0x0], $0xffff;
	[tilespmem:s21+$0x20] =	vst v26  }
0xd3: {  	v50 =	vor.u32 v4, v25;
	s24 =	smov.u32 s26;
	s26 =	rddreg [dreg:$0x4];
	v29 =	vld.idx.msk [tilespmem:v29+s10+$0x0], $0xffff;
	[tilespmem:s13+$0x200] =	vst v42  }
0xd4: {  	v26 =	vld.idx.msk [tilespmem:v27+s10+$0x0], $0xffff;
	v27 =	vor.u32 v14, v19;
	[tilespmem:s26+$0x200] =	vst v31  }
0xd5: {  	v52 =	vor.u32 v4, v17;
	v37 =	vld.idx.msk [tilespmem:v49+s10+$0x0], $0xffff;
	[tilespmem:s23+$0x30] =	vst v35  }
0xd6: {  	[tilespmem:s22+$0x30] =	vst v30;
	v30 =	vor.u32 v4, v18;
	v35 =	vld.idx.msk [tilespmem:v51+s10+$0x0], $0xffff  }
0xd7: {  	v53 =	vor.u32 v13, v16;
	s13 =	sor.u32 $0x450, s17;
	v28 =	vld.idx.msk [tilespmem:v28+s10+$0x0], $0xffff  }
0xd8: {  	v54 =	vor.u32 v13, v21;
	v31 =	vld.idx.msk [tilespmem:v50+s10+$0x0], $0xffff;
	[tilespmem:s13+$0x200] =	vst v32  }
0xd9: {  	v56 =	vor.u32 v5, v24;
	[tilespmem:s12+$0x30] =	vst v29;
	v27 =	vld.idx.msk [tilespmem:v27+s10+$0x0], $0xffff  }
0xda: {  	v29 =	vor.u32 v5, v25;
	v55 =	vld.idx.msk [tilespmem:v52+s10+$0x0], $0xffff;
	[tilespmem:s21+$0x30] =	vst v26  }
0xdb: {  	[tilespmem:s18+$0x200] =	vst v48;
	v26 =	vld.idx.msk [tilespmem:v30+s10+$0x0], $0xffff;
	v30 =	vor.u32 v15, v19  }
0xdc: {  	v34 =	vld.idx.msk [tilespmem:v53+s10+$0x0], $0xffff;
	[tilespmem:s4+$0x200] =	vst v37;
	v19 =	vmov v25;
	v25 =	vor.u32 v5, v17  }
0xdd: {  	v60 =	vor.u32 v14, v16;
	[dreg:$0x5] =	wrdreg s24;
	v57 =	vld.idx.msk [tilespmem:v54+s10+$0x0], $0xffff;
	[tilespmem:s23+$0x40] =	vst v35  }
0xde: {  	s24 =	smov.u32 s15;
	s15 =	sadd.s32 $0x1, s9;
	s18 =	sor.u32 $0x460, s17;
	[tilespmem:s22+$0x40] =	vst v31;
	v31 =	vor.u32 v5, v18;
	v33 =	vld.idx.msk [tilespmem:v56+s10+$0x0], $0xffff  }
0xdf: {  	v58 =	vor.u32 v13, v20;
	v59 =	vmov s15;
	v29 =	vld.idx.msk [tilespmem:v29+s10+$0x0], $0xffff;
	[tilespmem:s18+$0x200] =	vst v27  }
0xe0: {  	v40 =	vor.u32 v6, v24;
	[dreg:$0x7] =	wrdreg s24;
	s24 =	smov.u32 s14;
	s14 =	smov.u32 s19;
	v27 =	vand.u32 $0xFFFFFFFD, v59;
	[tilespmem:s12+$0x40] =	vst v55;
	v30 =	vld.idx.msk [tilespmem:v30+s10+$0x0], $0xffff  }
0xe1: {  	s19 =	smov.u32 s20;
	s20 =	rddreg [dreg:$0x15];
	s5 =	smov.u32 s0;
	v61 =	vor.u32 v6, v19;
	[tilespmem:s30+$0x200] =	vst v34;
	v37 =	vbroadcast v27, $0x0;
	v39 =	vld.idx.msk [tilespmem:v25+s10+$0x0], $0xffff  }
0xe2: {  	[dreg:$0x4] =	wrdreg s5;
	[tilespmem:s21+$0x40] =	vst v26;
	v25 =	vld.idx.msk [tilespmem:v60+s10+$0x0], $0xffff  }
0xe3: {  	s5 =	rddreg [dreg:$0x12];
	v42 =	vor.u32 v6, v17;
	v41 =	vld.idx.msk [tilespmem:v31+s10+$0x0], $0xffff;
	[tilespmem:s31+$0x200] =	vst v28  }
0xe4: {  	v62 =	vor.u32 v6, v18;
	s26 =	smov.u32 s8;
	s8 =	rddreg [dreg:$0x13];
	[tilespmem:s23+$0x50] =	vst v33;
	v43 =	vld.idx.msk [tilespmem:v58+s10+$0x0], $0xffff  }
0xe5: {  	p2 =	slt.u32 s9, $0xC4;
	v63 =	vor.u32 v14, v21;
	s0 =	sor.u32 $0x470, s17;
	s17 =	rddreg [dreg:$0x3];
	v28 =	vld.idx.msk [tilespmem:v40+s10+$0x0], $0xffff;
	[tilespmem:s22+$0x50] =	vst v29  }
.Ltmp0:
0xe6: {  	s3 =	simm.s32 $0x0;
	s13 =	rddreg [dreg:$0x17];
	v27 =	vld.idx.msk [tilespmem:v61+s10+$0x0], $0xffff;
	[tilespmem:s0+$0x200] =	vst v30;
	(pc) =	sbr.rel @p2 .LBB2_3-.Ltmp0, $4  }
0xe7: {  	s30 =	rddreg [dreg:$0x19];
	[tilespmem:s12+$0x50] =	vst v39;
	v26 =	vld.idx.msk [tilespmem:v37+s3+$0x0], $0xffff  }
0xe8: {  	s15 =	smov.u32 s2;
	v32 =	vor.u32 v14, v20;
	s4 =	smov.u32 s6;
	s18 =	rddreg [dreg:$0x14];
	v29 =	vld.idx.msk [tilespmem:v42+s10+$0x0], $0xffff;
	[tilespmem:s21+$0x50] =	vst v41  }
0xe9: {  	s6 =	sadd.s32 $0x2, s9;
	s9 =	sadd.s32 $0x4, s9;
	v34 =	vor.u32 v7, v24;
	v31 =	vor.u32 v7, v19;
	s31 =	rddreg [dreg:$0x16];
	[tilespmem:s8+$0x200] =	vst v57;
	v30 =	vld.idx.msk [tilespmem:v62+s10+$0x0], $0xffff  }
0xea: {  	v36 =	vmov s6;
	v33 =	vor.u32 v15, v16;
	v16 =	vmovc v24;
	v24 =	vor.u32 v7, v17;
	s8 =	smov.u32 s13;
	s13 =	smov.u32 s20;
	v35 =	vld.idx.msk [tilespmem:v63+s10+$0x0], $0xffff;
	[tilespmem:s18+$0x200] =	vst v43;
	s18 =	rddreg [dreg:$0x18]  }
0xeb: {  	_ =	sdelay $0x1  }
0xec: {  	v36 =	vand.u32 $0xFFFFFFFE, v36;
	s0 =	rddreg [dreg:$0xf];
	[tilespmem:s22+$0x60] =	vst v27  }
0xed: {  	[tilespmem:s23+$0x60] =	vst v28;
	v36 =	vbroadcast v36, $0x0  }
0xee: {  	v32 =	vld.idx.msk [tilespmem:v32+s10+$0x0], $0xffff;
	[tilespmem:s0+$0x200] =	vst v25  }
0xef: {  	v28 =	vld.idx.msk [tilespmem:v31+s10+$0x0], $0xffff;
	s0 =	rddreg [dreg:$0x10];
	[tilespmem:s12+$0x60] =	vst v29  }
0xf0: {  	v34 =	vld.idx.msk [tilespmem:v34+s10+$0x0], $0xffff;
	[tilespmem:s21+$0x60] =	vst v30  }
0xf1: {  	v43 =	vor.u32 v8, v19;
	[tilespmem:s0+$0x200] =	vst v35  }
0xf2: {  	s20 =	simm.s32 $0x0;
	v44 =	vor.u32 v8, v16;
	v29 =	vld.idx.msk [tilespmem:v33+s10+$0x0], $0xffff;
	s0 =	rddreg [dreg:$0xc]  }
0xf3: {  	v27 =	vor.u32 v7, v18;
	[tilespmem:s0+$0x200] =	vst v32;
	v25 =	vld.idx.msk [tilespmem:v36+s20+$0x0], $0xffff  }
0xf4: {  	v31 =	vor.u32 v15, v21;
	[tilespmem:s22+$0x70] =	vst v28  }
0xf5: {  	s9 =	sadd.s32 $0x2, s17;
	v45 =	vld.idx.msk [tilespmem:v24+s10+$0x0], $0xffff;
	[tilespmem:s23+$0x70] =	vst v34  }
0xf6: {  	s2 =	sand.u32 $0x3, s9;
	v30 =	vor.u32 v15, v20;
	v24 =	vshll.u32 v26, $0x8;
	v28 =	vld.idx.msk [tilespmem:v43+s10+$0x0], $0xffff;
	s0 =	rddreg [dreg:$0xb]  }
0xf7: {  	v22 =	vshll.u32 v22, $0x8;
	s2 =	sshll.u32 s2, $0x8;
	v20 =	vshll.u32 v23, $0x8;
	v23 =	vor.u32 v0, v24;
	[tilespmem:s0+$0x200] =	vst v29;
	v29 =	vld.idx.msk [tilespmem:v44+s10+$0x0], $0xffff  }
0xf8: {  	v46 =	vor.u32 v0, v22;
	s2 =	sadd.s32 s1, s2;
	v21 =	vshll.u32 v25, $0x8;
	v25 =	vld.idx.msk [tilespmem:v27+s10+$0x0], $0xffff  }
0xf9: {  	s3 =	sadd.s32 $0x100, s2;
	v27 =	vld.idx.msk [tilespmem:v31+s10+$0x0], $0xffff;
	v26 =	vor.u32 v0, v21  }
0xfa: {  	s23 =	sor.u32 $0x400, s3;
	[tilespmem:s12+$0x70] =	vst v45;
	v31 =	vor.u32 v0, v20  }
0xfb: {  	v47 =	vor.u32 v8, v17;
	v30 =	vld.idx.msk [tilespmem:v30+s10+$0x0], $0xffff;
	[tilespmem:s23+$0x200] =	vst v28  }
0xfc: {  	s1 =	sadd.s32 $0x400, s1;
	s22 =	sadd.s32 $0x200, s11;
	v23 =	vld.idx.msk [tilespmem:v23+s10+$0x0], $0xffff;
	[tilespmem:s7+$0x200] =	vst v29  }
0xfd: {  	s6 =	sadd.s32 $0xFFFFFF80, s22;
	s11 =	sadd.s32 $0xFFFFFF00, s22;
	s2 =	sand.u32 $0x380, s22;
	v29 =	vld.idx.msk [tilespmem:v46+s10+$0x0], $0xffff;
	[tilespmem:s21+$0x70] =	vst v25;
	v25 =	vor.u32 v8, v18  }
0xfe: {  	v49 =	vor.u32 v1, v22;
	s0 =	sand.u32 $0xF800, s1;
	s6 =	sand.u32 $0x300, s6;
	s12 =	sadd.s32 $0xFFFFFE80, s22;
	[tilespmem:s5+$0x200] =	vst v27;
	v26 =	vld.idx.msk [tilespmem:v26+s10+$0x0], $0xffff  }
0xff: {  	s7 =	sand.u32 $0x280, s11;
	v27 =	vor.u32 v1, v21;
	v28 =	vld.idx.msk [tilespmem:v31+s10+$0x0], $0xffff;
	s5 =	sor.u32 $0x200, s0;
	s0 =	rddreg [dreg:$0x9]  }
0x100: {  	v31 =	vor.u32 v1, v24;
	s11 =	sadd.s32 s6, s5;
	s6 =	sand.u32 $0x200, s12;
	s17 =	sadd.s32 s7, s5;
	[tilespmem:s0+$0x200] =	vst v30;
	v30 =	vld.idx.msk [tilespmem:v47+s10+$0x0], $0xffff  }
0x101: {  	v48 =	vor.u32 v1, v20;
	s21 =	sadd.s32 s6, s5;
	[tilespmem:s17+$0x0] =	vst v23;
	s5 =	sadd.s32 s2, s5  }
0x102: {  	v50 =	vor.u32 v9, v19;
	[tilespmem:s5+$0x0] =	vst v29;
	v25 =	vld.idx.msk [tilespmem:v25+s10+$0x0], $0xffff  }
0x103: {  	v29 =	vld.idx.msk [tilespmem:v49+s10+$0x0], $0xffff;
	[tilespmem:s11+$0x0] =	vst v26  }
0x104: {  	[tilespmem:s21+$0x0] =	vst v28;
	v26 =	vor.u32 v9, v16;
	v23 =	vld.idx.msk [tilespmem:v27+s10+$0x0], $0xffff  }
0x105: {  	v28 =	vor.u32 v2, v21;
	v27 =	vld.idx.msk [tilespmem:v31+s10+$0x0], $0xffff;
	[tilespmem:s4+$0x200] =	vst v30  }
0x106: {  	v51 =	vor.u32 v2, v24;
	v31 =	vld.idx.msk [tilespmem:v48+s10+$0x0], $0xffff;
	s0 =	rddreg [dreg:$0x11]  }
0x107: {  	v30 =	vor.u32 v2, v20;
	[tilespmem:s0+$0x200] =	vst v25;
	v25 =	vld.idx.msk [tilespmem:v50+s10+$0x0], $0xffff  }
0x108: {  	v52 =	vor.u32 v2, v22;
	[tilespmem:s5+$0x10] =	vst v29  }
0x109: {  	v26 =	vld.idx.msk [tilespmem:v26+s10+$0x0], $0xffff;
	[tilespmem:s11+$0x10] =	vst v23  }
0x10a: {  	v53 =	vor.u32 v9, v17;
	[tilespmem:s17+$0x10] =	vst v27;
	v27 =	vld.idx.msk [tilespmem:v28+s10+$0x0], $0xffff  }
0x10b: {  	s22 =	sor.u32 $0x410, s3;
	[tilespmem:s21+$0x10] =	vst v31;
	v28 =	vld.idx.msk [tilespmem:v51+s10+$0x0], $0xffff  }
0x10c: {  	v23 =	vor.u32 v9, v18;
	v30 =	vld.idx.msk [tilespmem:v30+s10+$0x0], $0xffff;
	[tilespmem:s22+$0x200] =	vst v25  }
0x10d: {  	v31 =	vor.u32 v3, v21;
	v25 =	vld.idx.msk [tilespmem:v52+s10+$0x0], $0xffff;
	s0 =	rddreg [dreg:$0xd]  }
0x10e: {  	v54 =	vor.u32 v3, v24;
	[tilespmem:s0+$0x200] =	vst v26  }
0x10f: {  	v29 =	vor.u32 v3, v20;
	v26 =	vld.idx.msk [tilespmem:v53+s10+$0x0], $0xffff;
	[tilespmem:s11+$0x20] =	vst v27  }
0x110: {  	v55 =	vor.u32 v3, v22;
	[tilespmem:s17+$0x20] =	vst v28  }
0x111: {  	v56 =	vor.u32 v10, v19;
	v23 =	vld.idx.msk [tilespmem:v23+s10+$0x0], $0xffff;
	[tilespmem:s21+$0x20] =	vst v30  }
0x112: {  	v27 =	vor.u32 v10, v16;
	v28 =	vld.idx.msk [tilespmem:v31+s10+$0x0], $0xffff;
	[tilespmem:s5+$0x20] =	vst v25  }
0x113: {  	v30 =	vor.u32 v4, v21;
	v31 =	vld.idx.msk [tilespmem:v54+s10+$0x0], $0xffff;
	s0 =	rddreg [dreg:$0xe]  }
0x114: {  	v57 =	vor.u32 v4, v24;
	v29 =	vld.idx.msk [tilespmem:v29+s10+$0x0], $0xffff;
	[tilespmem:s0+$0x200] =	vst v26  }
0x115: {  	v25 =	vld.idx.msk [tilespmem:v55+s10+$0x0], $0xffff;
	v26 =	vor.u32 v4, v20;
	s0 =	rddreg [dreg:$0xa]  }
0x116: {  	v58 =	vor.u32 v4, v22;
	[tilespmem:s0+$0x200] =	vst v23;
	v23 =	vld.idx.msk [tilespmem:v56+s10+$0x0], $0xffff  }
0x117: {  	v27 =	vld.idx.msk [tilespmem:v27+s10+$0x0], $0xffff;
	[tilespmem:s11+$0x30] =	vst v28;
	v28 =	vor.u32 v11, v19  }
0x118: {  	v59 =	vor.u32 v10, v17;
	[tilespmem:s17+$0x30] =	vst v31;
	v30 =	vld.idx.msk [tilespmem:v30+s10+$0x0], $0xffff  }
0x119: {  	[tilespmem:s21+$0x30] =	vst v29;
	v29 =	vor.u32 v5, v21;
	v31 =	vld.idx.msk [tilespmem:v57+s10+$0x0], $0xffff  }
0x11a: {  	v60 =	vor.u32 v5, v24;
	s23 =	sor.u32 $0x420, s3;
	[tilespmem:s5+$0x30] =	vst v25;
	v26 =	vld.idx.msk [tilespmem:v26+s10+$0x0], $0xffff  }
0x11b: {  	v25 =	vor.u32 v5, v20;
	[tilespmem:s23+$0x200] =	vst v23;
	v23 =	vld.idx.msk [tilespmem:v58+s10+$0x0], $0xffff  }
0x11c: {  	v61 =	vor.u32 v5, v22;
	[tilespmem:s30+$0x200] =	vst v27;
	v28 =	vld.idx.msk [tilespmem:v28+s10+$0x0], $0xffff  }
0x11d: {  	v27 =	vld.idx.msk [tilespmem:v59+s10+$0x0], $0xffff;
	[tilespmem:s11+$0x40] =	vst v30  }
0x11e: {  	v62 =	vor.u32 v10, v18;
	[tilespmem:s17+$0x40] =	vst v31;
	v29 =	vld.idx.msk [tilespmem:v29+s10+$0x0], $0xffff  }
0x11f: {  	v31 =	vld.idx.msk [tilespmem:v60+s10+$0x0], $0xffff;
	[tilespmem:s21+$0x40] =	vst v26;
	v26 =	vor.u32 v6, v21  }
0x120: {  	s2 =	sor.u32 $0x430, s3;
	v30 =	vor.u32 v11, v16;
	v25 =	vld.idx.msk [tilespmem:v25+s10+$0x0], $0xffff;
	[tilespmem:s5+$0x40] =	vst v23  }
0x121: {  	v63 =	vor.u32 v6, v24;
	s0 =	rddreg [dreg:$0x8];
	v23 =	vld.idx.msk [tilespmem:v61+s10+$0x0], $0xffff;
	[tilespmem:s2+$0x200] =	vst v28  }
0x122: {  	v37 =	vor.u32 v12, v19;
	[tilespmem:s0+$0x200] =	vst v27  }
0x123: {  	v28 =	vld.idx.msk [tilespmem:v62+s10+$0x0], $0xffff;
	v27 =	vor.u32 v6, v20;
	[tilespmem:s11+$0x50] =	vst v29  }
0x124: {  	v36 =	vor.u32 v6, v22;
	[tilespmem:s17+$0x50] =	vst v31;
	v26 =	vld.idx.msk [tilespmem:v26+s10+$0x0], $0xffff  }
0x125: {  	v30 =	vld.idx.msk [tilespmem:v30+s10+$0x0], $0xffff;
	[tilespmem:s21+$0x50] =	vst v25  }
0x126: {  	v29 =	vor.u32 v11, v17;
	v31 =	vld.idx.msk [tilespmem:v63+s10+$0x0], $0xffff;
	[tilespmem:s5+$0x50] =	vst v23  }
0x127: {  	v39 =	vld.idx.msk [tilespmem:v37+s10+$0x0], $0xffff;
	v25 =	vor.u32 v7, v21;
	s0 =	rddreg [dreg:$0x6]  }
0x128: {  	v38 =	vor.u32 v7, v24;
	v27 =	vld.idx.msk [tilespmem:v27+s10+$0x0], $0xffff;
	[tilespmem:s0+$0x200] =	vst v28  }
0x129: {  	v23 =	vld.idx.msk [tilespmem:v36+s10+$0x0], $0xffff;
	v28 =	vor.u32 v7, v20;
	s0 =	rddreg [dreg:$0x5];
	[tilespmem:s11+$0x60] =	vst v26  }
0x12a: {  	[tilespmem:s0+$0x200] =	vst v30;
	v30 =	vor.u32 v7, v22  }
0x12b: {  	s4 =	sor.u32 $0x440, s3;
	v29 =	vld.idx.msk [tilespmem:v29+s10+$0x0], $0xffff;
	[tilespmem:s17+$0x60] =	vst v31  }
0x12c: {  	v40 =	vor.u32 v11, v18;
	[tilespmem:s4+$0x200] =	vst v39;
	v25 =	vld.idx.msk [tilespmem:v25+s10+$0x0], $0xffff  }
0x12d: {  	v26 =	vor.u32 v13, v19;
	v31 =	vld.idx.msk [tilespmem:v38+s10+$0x0], $0xffff;
	[tilespmem:s21+$0x60] =	vst v27  }
0x12e: {  	v27 =	vor.u32 v8, v21;
	[tilespmem:s5+$0x60] =	vst v23;
	v28 =	vld.idx.msk [tilespmem:v28+s10+$0x0], $0xffff  }
0x12f: {  	v41 =	vor.u32 v8, v24;
	s0 =	rddreg [dreg:$0x7];
	v23 =	vld.idx.msk [tilespmem:v30+s10+$0x0], $0xffff  }
0x130: {  	[tilespmem:s0+$0x200] =	vst v29;
	v30 =	vor.u32 v8, v20  }
0x131: {  	v42 =	vor.u32 v8, v22;
	v29 =	vld.idx.msk [tilespmem:v40+s10+$0x0], $0xffff;
	[tilespmem:s11+$0x70] =	vst v25  }
0x132: {  	s6 =	sadd.s32 $0x2, s9;
	s9 =	sadd.s32 $0x4, s16;
	v26 =	vld.idx.msk [tilespmem:v26+s10+$0x0], $0xffff;
	v25 =	vor.u32 v12, v16;
	[tilespmem:s17+$0x70] =	vst v31  }
0x133: {  	p1 =	por !p1, !p1;
	s2 =	sand.u32 $0x7, s9;
	s0 =	sand.u32 $0x3, s6;
	v31 =	vor.u32 v12, v17;
	v27 =	vld.idx.msk [tilespmem:v27+s10+$0x0], $0xffff;
	[tilespmem:s21+$0x70] =	vst v28  }
0x134: {  	v43 =	vor.u32 v9, v21;
	s16 =	sor.u32 $0x450, s3;
	s2 =	sshll.u32 s2, $0x7;
	s0 =	sshll.u32 s0, $0x8;
	v28 =	vld.idx.msk [tilespmem:v41+s10+$0x0], $0xffff;
	[tilespmem:s5+$0x70] =	vst v23  }
0x135: {  	v44 =	vor.u32 v9, v24;
	s4 =	simm.s32 $0x1;
	s0 =	sadd.s32 s1, s0;
	v30 =	vld.idx.msk [tilespmem:v30+s10+$0x0], $0xffff;
	s12 =	rddreg [dreg:$0x4]  }
0x136: {  	s4 =	simm.s32 @!p1 $0x0;
	s11 =	sadd.s32 s1, s2;
	s0 =	sadd.s32 $0x100, s0;
	v23 =	vld.idx.msk [tilespmem:v42+s10+$0x0], $0xffff;
	[tilespmem:s12+$0x200] =	vst v29;
	v29 =	vor.u32 v9, v20  }
0x137: {  	s4 =	sshll.u32 s4, $0x9;
	s2 =	sadd.s32 $0x80, s11;
	s17 =	sor.u32 $0x400, s0;
	v25 =	vld.idx.msk [tilespmem:v25+s10+$0x0], $0xffff;
	[tilespmem:s16+$0x200] =	vst v26;
	v26 =	vor.u32 v9, v22  }
0x138: {  	s1 =	sadd.s32 s4, s1;
	s21 =	sor.u32 $0x400, s2;
	v31 =	vld.idx.msk [tilespmem:v31+s10+$0x0], $0xffff;
	[tilespmem:s17+$0x200] =	vst v27;
	v27 =	vor.u32 v14, v19  }
0x139: {  	s4 =	sadd.s32 $0x180, s11;
	s22 =	sor.u32 $0x400, s1;
	[tilespmem:s21+$0x200] =	vst v28;
	v28 =	vor.u32 v12, v18;
	v32 =	vld.idx.msk [tilespmem:v43+s10+$0x0], $0xffff  }
0x13a: {  	v46 =	vor.u32 v13, v16;
	s23 =	sor.u32 $0x400, s4;
	[tilespmem:s22+$0x200] =	vst v30;
	v30 =	vld.idx.msk [tilespmem:v44+s10+$0x0], $0xffff  }
0x13b: {  	v45 =	vor.u32 v10, v21;
	[tilespmem:s23+$0x200] =	vst v23;
	v23 =	vld.idx.msk [tilespmem:v29+s10+$0x0], $0xffff  }
0x13c: {  	[tilespmem:s24+$0x200] =	vst v25;
	v29 =	vor.u32 v10, v24;
	v25 =	vld.idx.msk [tilespmem:v26+s10+$0x0], $0xffff  }
0x13d: {  	[tilespmem:s26+$0x200] =	vst v31;
	s24 =	sor.u32 $0x410, s0;
	v26 =	vor.u32 v10, v20;
	v27 =	vld.idx.msk [tilespmem:v27+s10+$0x0], $0xffff  }
0x13e: {  	s26 =	sor.u32 $0x410, s2;
	[tilespmem:s24+$0x200] =	vst v32;
	v28 =	vld.idx.msk [tilespmem:v28+s10+$0x0], $0xffff  }
0x13f: {  	s30 =	sor.u32 $0x410, s1;
	v31 =	vor.u32 v10, v22;
	v32 =	vld.idx.msk [tilespmem:v46+s10+$0x0], $0xffff;
	[tilespmem:s26+$0x200] =	vst v30  }
0x140: {  	s6 =	sor.u32 $0x410, s4;
	v19 =	vor.u32 v15, v19;
	v30 =	vld.idx.msk [tilespmem:v45+s10+$0x0], $0xffff;
	[tilespmem:s30+$0x200] =	vst v23  }
0x141: {  	s7 =	sor.u32 $0x460, s3;
	v23 =	vld.idx.msk [tilespmem:v29+s10+$0x0], $0xffff;
	v29 =	vor.u32 v11, v21;
	[tilespmem:s6+$0x200] =	vst v25  }
0x142: {  	v48 =	vor.u32 v14, v16;
	[tilespmem:s7+$0x200] =	vst v27;
	v25 =	vld.idx.msk [tilespmem:v26+s10+$0x0], $0xffff  }
0x143: {  	v26 =	vor.u32 v11, v24;
	[tilespmem:s15+$0x200] =	vst v28  }
0x144: {  	s9 =	sor.u32 $0x420, s0;
	v27 =	vld.idx.msk [tilespmem:v31+s10+$0x0], $0xffff;
	v31 =	vor.u32 v11, v20;
	[tilespmem:s14+$0x200] =	vst v32  }
0x145: {  	s11 =	sor.u32 $0x420, s2;
	v28 =	vor.u32 v11, v22;
	v19 =	vld.idx.msk [tilespmem:v19+s10+$0x0], $0xffff;
	[tilespmem:s9+$0x200] =	vst v30  }
0x146: {  	s12 =	sor.u32 $0x420, s1;
	v30 =	vor.u32 v13, v17;
	[tilespmem:s11+$0x200] =	vst v23;
	v29 =	vld.idx.msk [tilespmem:v29+s10+$0x0], $0xffff  }
0x147: {  	v49 =	vld.idx.msk [tilespmem:v48+s10+$0x0], $0xffff;
	[tilespmem:s12+$0x200] =	vst v25;
	v25 =	vor.u32 v12, v21  }
0x148: {  	s15 =	sor.u32 $0x420, s4;
	v23 =	vor.u32 v13, v18;
	v26 =	vld.idx.msk [tilespmem:v26+s10+$0x0], $0xffff  }
0x149: {  	s3 =	sor.u32 $0x470, s3;
	v16 =	vor.u32 v15, v16;
	[tilespmem:s15+$0x200] =	vst v27;
	v27 =	vld.idx.msk [tilespmem:v31+s10+$0x0], $0xffff  }
0x14a: {  	s16 =	sor.u32 $0x430, s0;
	[tilespmem:s3+$0x200] =	vst v19;
	v31 =	vor.u32 v12, v24;
	v28 =	vld.idx.msk [tilespmem:v28+s10+$0x0], $0xffff  }
0x14b: {  	v47 =	vor.u32 v12, v20;
	v30 =	vld.idx.msk [tilespmem:v30+s10+$0x0], $0xffff;
	[tilespmem:s16+$0x200] =	vst v29  }
0x14c: {  	s17 =	sor.u32 $0x430, s2;
	v19 =	vor.u32 v12, v22;
	[tilespmem:s29+$0x200] =	vst v49;
	v25 =	vld.idx.msk [tilespmem:v25+s10+$0x0], $0xffff  }
0x14d: {  	s21 =	sor.u32 $0x430, s1;
	v23 =	vld.idx.msk [tilespmem:v23+s10+$0x0], $0xffff;
	[tilespmem:s17+$0x200] =	vst v26;
	v26 =	vor.u32 v13, v21  }
0x14e: {  	s22 =	sor.u32 $0x430, s4;
	v16 =	vld.idx.msk [tilespmem:v16+s10+$0x0], $0xffff;
	v29 =	vor.u32 v14, v17;
	[tilespmem:s21+$0x200] =	vst v27  }
0x14f: {  	v50 =	vor.u32 v14, v18;
	v31 =	vld.idx.msk [tilespmem:v31+s10+$0x0], $0xffff;
	[tilespmem:s22+$0x200] =	vst v28  }
0x150: {  	s23 =	sor.u32 $0x440, s0;
	v28 =	vor.u32 v13, v24;
	v27 =	vld.idx.msk [tilespmem:v47+s10+$0x0], $0xffff;
	[tilespmem:s8+$0x200] =	vst v30  }
0x151: {  	v19 =	vld.idx.msk [tilespmem:v19+s10+$0x0], $0xffff;
	v30 =	vor.u32 v13, v20;
	[tilespmem:s23+$0x200] =	vst v25  }
0x152: {  	[tilespmem:s13+$0x200] =	vst v23;
	v23 =	vor.u32 v13, v22;
	v25 =	vld.idx.msk [tilespmem:v26+s10+$0x0], $0xffff  }
0x153: {  	s24 =	sor.u32 $0x440, s2;
	[tilespmem:s18+$0x200] =	vst v16;
	v29 =	vld.idx.msk [tilespmem:v29+s10+$0x0], $0xffff;
	v26 =	vor.u32 v14, v21  }
0x154: {  	s26 =	sor.u32 $0x440, s1;
	v17 =	vor.u32 v15, v17;
	[tilespmem:s24+$0x200] =	vst v31;
	v31 =	vld.idx.msk [tilespmem:v50+s10+$0x0], $0xffff  }
0x155: {  	s30 =	sor.u32 $0x440, s4;
	v18 =	vor.u32 v15, v18;
	[tilespmem:s26+$0x200] =	vst v27;
	v27 =	vld.idx.msk [tilespmem:v28+s10+$0x0], $0xffff  }
0x156: {  	s5 =	sor.u32 $0x450, s0;
	[tilespmem:s30+$0x200] =	vst v19;
	v28 =	vld.idx.msk [tilespmem:v30+s10+$0x0], $0xffff;
	v30 =	vor.u32 v14, v24  }
0x157: {  	v19 =	vld.idx.msk [tilespmem:v23+s10+$0x0], $0xffff;
	v23 =	vor.u32 v14, v20;
	[tilespmem:s5+$0x200] =	vst v25  }
0x158: {  	[tilespmem:s25+$0x200] =	vst v29;
	v29 =	vor.u32 v14, v22;
	v25 =	vld.idx.msk [tilespmem:v26+s10+$0x0], $0xffff  }
0x159: {  	s6 =	sor.u32 $0x450, s2;
	v21 =	vor.u32 v15, v21;
	v17 =	vld.idx.msk [tilespmem:v17+s10+$0x0], $0xffff;
	[tilespmem:s31+$0x200] =	vst v31  }
0x15a: {  	s7 =	sor.u32 $0x450, s1;
	[tilespmem:s6+$0x200] =	vst v27;
	v18 =	vld.idx.msk [tilespmem:v18+s10+$0x0], $0xffff  }
0x15b: {  	s8 =	sor.u32 $0x450, s4;
	v26 =	vld.idx.msk [tilespmem:v30+s10+$0x0], $0xffff;
	[tilespmem:s7+$0x200] =	vst v28  }
0x15c: {  	s9 =	sor.u32 $0x460, s0;
	v23 =	vld.idx.msk [tilespmem:v23+s10+$0x0], $0xffff;
	[tilespmem:s8+$0x200] =	vst v19  }
0x15d: {  	v24 =	vor.u32 v15, v24;
	v19 =	vld.idx.msk [tilespmem:v29+s10+$0x0], $0xffff;
	[tilespmem:s9+$0x200] =	vst v25  }
0x15e: {  	v20 =	vor.u32 v15, v20;
	[tilespmem:s19+$0x200] =	vst v17;
	v21 =	vld.idx.msk [tilespmem:v21+s10+$0x0], $0xffff  }
0x15f: {  	s11 =	sor.u32 $0x460, s2;
	v16 =	vor.u32 v15, v22;
	[tilespmem:s28+$0x200] =	vst v18  }
0x160: {  	s12 =	sor.u32 $0x460, s1;
	[tilespmem:s11+$0x200] =	vst v26  }
0x161: {  	s13 =	sor.u32 $0x460, s4;
	[tilespmem:s12+$0x200] =	vst v23  }
0x162: {  	s0 =	sor.u32 $0x470, s0;
	v22 =	vld.idx.msk [tilespmem:v24+s10+$0x0], $0xffff;
	[tilespmem:s13+$0x200] =	vst v19  }
0x163: {  	v20 =	vld.idx.msk [tilespmem:v20+s10+$0x0], $0xffff;
	[tilespmem:s0+$0x200] =	vst v21  }
0x164: {  	v16 =	vld.idx.msk [tilespmem:v16+s10+$0x0], $0xffff;
	s0 =	sld [smem:$0x7FA];
	_ =	sdelay $0x1  }
0x165: {  	s2 =	sor.u32 $0x470, s2  }
0x166: {  	s1 =	sor.u32 $0x470, s1;
	[tilespmem:s2+$0x200] =	vst v22;
	s0 =	smul.u32 $0x19000, s0  }
0x167: {  	s14 =	sor.u32 $0x470, s4;
	[tilespmem:s1+$0x200] =	vst v20  }
0x168: {  	s18 =	rddreg [dreg:$0x1];
	[tilespmem:s14+$0x200] =	vst v16;
	s0 =	sshrl.u32 s0, $0x3  }
0x169: {  	s15 =	simm.s32 $0x200;
	s16 =	sld [smem:$0x7F9];
	s0 =	sadd.s32 s18, s0  }
0x16a: {  	[hbm4b:s0+s20] =	stream.linear.scatter [tilespmem:s15], [sflag:$0x3], $0xC800, $0x38;
	[tilespmem:$0x1FA00] =	vst v63  }
0x16b: {  	s0 =	sadd.s32 $0x1900, s0  }
0x16c: {  	[hbm4b:s0+s20] =	stream.linear.scatter [tilespmem:s15], [sflag:$0x3], $0xC800, $0x38;
	[tilespmem:$0x1FA00] =	vst v63  }
0x16d: {  	s19 =	simm.s32 $0x2;
	s17 =	rddreg [dreg:$0x1e];
	s0 =	smin.u32 s16, $0x1D  }
0x16e: {  	s0 =	sadd.s32 s0, s17;
	_ =	swait.ge [sflag:s19], $0xC8  }
0x16f: {  	s0 =	smul.u32 $0x19, s0;
	[sflag:s19] =	ssyncset.done $0x0  }
0x170: {  	[sflag:s19] =	ssyncadd.s32 $0xFFFFFF38;
	s19 =	rddreg [dreg:$0x1b]  }
0x171: {  	s0 =	sadd.s32 s19, s0  }
0x172: {  	[tilespmem:s20], [sflag:$0x1] =	stream.linear.gather [hbm4b:s0+s20], $0xC8, $0x38;
	[tilespmem:$0x1FA00] =	vst v63  }
0x173: {  	s20 =	simm.s32 $0x2  }
0x174: {  	s21 =	simm.s32 $0x1;
	v16 =	vmov s20  }
0x175: {  	s22 =	simm.s32 $0x0;
	v17 =	vmov s21;
	s0 =	simm.s32 @!p0 $0x4;
	v16 =	vand.u32 $0xFFFFFFFE, v16  }
0x176: {  	v17 =	vand.u32 $0xFFFFFFFD, v17;
	v18 =	vmov s22;
	_ =	swait.ge @!p0 [sflag:s0], $0xC800;
	v16 =	vbroadcast v16, $0x0  }
0x177: {  	v17 =	vbroadcast v17, $0x0;
	v18 =	vand.u32 $0xFFFFFFFC, v18;
	[sflag:s0] =	ssyncset.done @!p0 $0x0  }
0x178: {  	v18 =	vbroadcast v18, $0x0;
	[sflag:s0] =	ssyncadd.s32 @!p0 $0xFFFF3800  }
0x179: {  	s23 =	simm.s32 $0x3;
	_ =	swait.ge @!p0 [sflag:s0], $0xC800  }
0x17a: {  	v19 =	vmov s23;
	[sflag:s0] =	ssyncset.done @!p0 $0x0  }
0x17b: {  	s21 =	simm.s32 $0x100;
	[sflag:s0] =	ssyncadd.s32 @!p0 $0xFFFF3800  }
0x17c: {  	v16 =	vld.idx.msk [tilespmem:v16+s21+$0x0], $0xffff  }
0x17d: {  	v17 =	vld.idx.msk [tilespmem:v17+s21+$0x0], $0xffff  }
0x17e: {  	v18 =	vld.idx.msk [tilespmem:v18+s21+$0x0], $0xffff  }
0x17f: {  	v19 =	vld.idx.msk [tilespmem:v19+s21+$0x0], $0xffff;
	_ =	sdelay $0x1  }
0x180: {  	v25 =	vshll.u32 v16, $0x8  }
0x181: {  	v24 =	vshll.u32 v17, $0x8;
	v16 =	vor.u32 v0, v25  }
0x182: {  	v21 =	vshll.u32 v18, $0x8;
	v17 =	vor.u32 v0, v24  }
0x183: {  	v20 =	vshll.u32 v19, $0x8;
	v18 =	vor.u32 v0, v21  }
0x184: {  	v19 =	vor.u32 v0, v20;
	_ =	sdelay $0x1  }
0x185: {  	v16 =	vld.idx.msk [tilespmem:v16+s10+$0x0], $0xffff  }
0x186: {  	v22 =	vor.u32 v1, v25;
	v17 =	vld.idx.msk [tilespmem:v17+s10+$0x0], $0xffff  }
0x187: {  	s24 =	sand.u32 $0xF800, s22;
	s25 =	simm.s32 $0x100;
	v23 =	vor.u32 v1, v24;
	v18 =	vld.idx.msk [tilespmem:v18+s10+$0x0], $0xffff  }
0x188: {  	s26 =	sadd.s32 $0xCA00, s24;
	s29 =	sand.u32 $0x300, s25;
	s28 =	simm.s32 $0x80;
	v26 =	vor.u32 v1, v21;
	v19 =	vld.idx.msk [tilespmem:v19+s10+$0x0], $0xffff  }
0x189: {  	s30 =	simm.s32 $0x0;
	s8 =	sadd.s32 s29, s26;
	s31 =	sand.u32 $0x280, s28;
	v27 =	vor.u32 v1, v20  }
0x18a: {  	s11 =	simm.s32 $0x180;
	s12 =	sadd.s32 s31, s26;
	s0 =	sand.u32 $0x200, s30;
	[tilespmem:s8+$0x0] =	vst v16  }
0x18b: {  	s2 =	sand.u32 $0x380, s11;
	s13 =	sadd.s32 s0, s26;
	[tilespmem:s12+$0x0] =	vst v17;
	v16 =	vld.idx.msk [tilespmem:v22+s10+$0x0], $0xffff  }
0x18c: {  	s5 =	sadd.s32 s2, s26;
	[tilespmem:s13+$0x0] =	vst v18;
	v18 =	vor.u32 v2, v25;
	v17 =	vld.idx.msk [tilespmem:v23+s10+$0x0], $0xffff  }
0x18d: {  	[tilespmem:s5+$0x0] =	vst v19;
	v23 =	vor.u32 v2, v24;
	v22 =	vld.idx.msk [tilespmem:v26+s10+$0x0], $0xffff  }
0x18e: {  	v19 =	vld.idx.msk [tilespmem:v27+s10+$0x0], $0xffff;
	v26 =	vor.u32 v2, v21  }
0x18f: {  	v27 =	vor.u32 v2, v20  }
0x190: {  	[tilespmem:s8+$0x10] =	vst v16  }
0x191: {  	[tilespmem:s12+$0x10] =	vst v17;
	v16 =	vld.idx.msk [tilespmem:v18+s10+$0x0], $0xffff  }
0x192: {  	v17 =	vld.idx.msk [tilespmem:v23+s10+$0x0], $0xffff;
	[tilespmem:s13+$0x10] =	vst v22;
	v18 =	vor.u32 v3, v25  }
0x193: {  	[tilespmem:s5+$0x10] =	vst v19;
	v23 =	vor.u32 v3, v24;
	v22 =	vld.idx.msk [tilespmem:v26+s10+$0x0], $0xffff  }
0x194: {  	v19 =	vld.idx.msk [tilespmem:v27+s10+$0x0], $0xffff;
	v26 =	vor.u32 v3, v21  }
0x195: {  	v27 =	vor.u32 v3, v20  }
0x196: {  	[tilespmem:s8+$0x20] =	vst v16  }
0x197: {  	[tilespmem:s12+$0x20] =	vst v17;
	v16 =	vld.idx.msk [tilespmem:v18+s10+$0x0], $0xffff  }
0x198: {  	v17 =	vld.idx.msk [tilespmem:v23+s10+$0x0], $0xffff;
	[tilespmem:s13+$0x20] =	vst v22;
	v18 =	vor.u32 v4, v25  }
0x199: {  	[tilespmem:s5+$0x20] =	vst v19;
	v23 =	vor.u32 v4, v24;
	v22 =	vld.idx.msk [tilespmem:v26+s10+$0x0], $0xffff  }
0x19a: {  	v19 =	vld.idx.msk [tilespmem:v27+s10+$0x0], $0xffff;
	v26 =	vor.u32 v4, v21  }
0x19b: {  	v27 =	vor.u32 v4, v20  }
0x19c: {  	[tilespmem:s8+$0x30] =	vst v16  }
0x19d: {  	[tilespmem:s12+$0x30] =	vst v17;
	v16 =	vld.idx.msk [tilespmem:v18+s10+$0x0], $0xffff  }
0x19e: {  	v17 =	vld.idx.msk [tilespmem:v23+s10+$0x0], $0xffff;
	[tilespmem:s13+$0x30] =	vst v22;
	v18 =	vor.u32 v5, v25  }
0x19f: {  	[tilespmem:s5+$0x30] =	vst v19;
	v23 =	vor.u32 v5, v24;
	v22 =	vld.idx.msk [tilespmem:v26+s10+$0x0], $0xffff  }
0x1a0: {  	v19 =	vld.idx.msk [tilespmem:v27+s10+$0x0], $0xffff;
	v26 =	vor.u32 v5, v21  }
0x1a1: {  	v27 =	vor.u32 v5, v20  }
0x1a2: {  	[tilespmem:s8+$0x40] =	vst v16  }
0x1a3: {  	[tilespmem:s12+$0x40] =	vst v17;
	v16 =	vld.idx.msk [tilespmem:v18+s10+$0x0], $0xffff  }
0x1a4: {  	v17 =	vld.idx.msk [tilespmem:v23+s10+$0x0], $0xffff;
	[tilespmem:s13+$0x40] =	vst v22;
	v18 =	vor.u32 v6, v25  }
0x1a5: {  	s14 =	simm.s32 $0x4;
	[tilespmem:s5+$0x40] =	vst v19;
	v23 =	vor.u32 v6, v24;
	v22 =	vld.idx.msk [tilespmem:v26+s10+$0x0], $0xffff  }
0x1a6: {  	v19 =	vmov s14;
	v26 =	vld.idx.msk [tilespmem:v27+s10+$0x0], $0xffff;
	v27 =	vor.u32 v6, v21  }
0x1a7: {  	v28 =	vor.u32 v6, v20;
	v19 =	vand.u32 $0xFFFFFFFC, v19  }
0x1a8: {  	v19 =	vbroadcast v19, $0x0;
	[tilespmem:s8+$0x50] =	vst v16  }
0x1a9: {  	[tilespmem:s12+$0x50] =	vst v17;
	v16 =	vld.idx.msk [tilespmem:v18+s10+$0x0], $0xffff  }
0x1aa: {  	v17 =	vld.idx.msk [tilespmem:v23+s10+$0x0], $0xffff;
	[tilespmem:s13+$0x50] =	vst v22;
	v18 =	vor.u32 v7, v25  }
0x1ab: {  	s16 =	simm.s32 $0x5;
	[tilespmem:s5+$0x50] =	vst v26;
	v23 =	vld.idx.msk [tilespmem:v27+s10+$0x0], $0xffff;
	v27 =	vor.u32 v7, v24  }
0x1ac: {  	s17 =	simm.s32 $0x6;
	v30 =	vor.u32 v7, v21;
	v22 =	vmov s16;
	v26 =	vld.idx.msk [tilespmem:v28+s10+$0x0], $0xffff  }
0x1ad: {  	s15 =	simm.s32 $0x7;
	v31 =	vor.u32 v7, v20;
	v22 =	vand.u32 $0xFFFFFFFD, v22;
	v28 =	vmov s17  }
0x1ae: {  	v29 =	vmov s15;
	v19 =	vld.idx.msk [tilespmem:v19+s21+$0x0], $0xffff;
	v22 =	vbroadcast v22, $0x0;
	v28 =	vand.u32 $0xFFFFFFFE, v28;
	[tilespmem:s8+$0x60] =	vst v16  }
0x1af: {  	[tilespmem:s12+$0x60] =	vst v17;
	v16 =	vbroadcast v28, $0x0;
	v17 =	vld.idx.msk [tilespmem:v18+s10+$0x0], $0xffff  }
0x1b0: {  	[tilespmem:s13+$0x60] =	vst v23;
	v18 =	vld.idx.msk [tilespmem:v27+s10+$0x0], $0xffff  }
0x1b1: {  	v23 =	vor.u32 v8, v25;
	[tilespmem:s5+$0x60] =	vst v26;
	v27 =	vld.idx.msk [tilespmem:v30+s10+$0x0], $0xffff  }
0x1b2: {  	s20 =	simm.s32 $0x8;
	v28 =	vor.u32 v8, v24;
	v26 =	vld.idx.msk [tilespmem:v31+s10+$0x0], $0xffff  }
0x1b3: {  	v29 =	vld.idx.msk [tilespmem:v29+s21+$0x0], $0xffff;
	v30 =	vmov s20;
	v31 =	vor.u32 v8, v21  }
0x1b4: {  	s22 =	simm.s32 $0xB;
	v51 =	vld.idx.msk [tilespmem:v22+s21+$0x0], $0xffff;
	v22 =	vand.u32 $0xFFFFFFFC, v30;
	v30 =	vor.u32 v8, v20;
	[tilespmem:s8+$0x70] =	vst v17  }
0x1b5: {  	v52 =	vbroadcast v22, $0x0;
	v22 =	vmov s22;
	v16 =	vld.idx.msk [tilespmem:v16+s21+$0x0], $0xffff;
	[tilespmem:s12+$0x70] =	vst v18  }
0x1b6: {  	[tilespmem:s13+$0x70] =	vst v27;
	v17 =	vshll.u32 v19, $0x8;
	v53 =	vld.idx.msk [tilespmem:v23+s10+$0x0], $0xffff  }
0x1b7: {  	[tilespmem:s5+$0x70] =	vst v26;
	v28 =	vld.idx.msk [tilespmem:v28+s10+$0x0], $0xffff;
	v26 =	vor.u32 v0, v17  }
0x1b8: {  	v27 =	vor.u32 v9, v25;
	v19 =	vld.idx.msk [tilespmem:v31+s10+$0x0], $0xffff  }
0x1b9: {  	s23 =	sadd.s32 $0xCE00, s24;
	v31 =	vor.u32 v9, v24;
	v30 =	vld.idx.msk [tilespmem:v30+s10+$0x0], $0xffff  }
0x1ba: {  	s24 =	sadd.s32 s29, s23;
	v54 =	vor.u32 v9, v21;
	v22 =	vld.idx.msk [tilespmem:v22+s21+$0x0], $0xffff  }
0x1bb: {  	s4 =	sadd.s32 s31, s23;
	v55 =	vor.u32 v9, v20;
	v23 =	vld.idx.msk [tilespmem:v52+s21+$0x0], $0xffff;
	v18 =	vshll.u32 v16, $0x8;
	[tilespmem:s24+$0x0] =	vst v53  }
0x1bc: {  	s1 =	sadd.s32 s0, s23;
	v16 =	vshll.u32 v51, $0x8;
	v56 =	vor.u32 v0, v18;
	[tilespmem:s4+$0x0] =	vst v28;
	v26 =	vld.idx.msk [tilespmem:v26+s10+$0x0], $0xffff  }
0x1bd: {  	s0 =	sadd.s32 s2, s23;
	v28 =	vor.u32 v0, v16;
	[tilespmem:s1+$0x0] =	vst v19;
	v19 =	vshll.u32 v29, $0x8;
	v27 =	vld.idx.msk [tilespmem:v27+s10+$0x0], $0xffff  }
0x1be: {  	[tilespmem:s0+$0x0] =	vst v30;
	v31 =	vld.idx.msk [tilespmem:v31+s10+$0x0], $0xffff;
	v30 =	vor.u32 v0, v19  }
0x1bf: {  	s2 =	simm.s32 $0x400;
	v57 =	vor.u32 v10, v25;
	v29 =	vld.idx.msk [tilespmem:v54+s10+$0x0], $0xffff  }
0x1c0: {  	s29 =	simm.s32 $0x200;
	s7 =	sand.u32 $0xF800, s2;
	v58 =	vor.u32 v10, v24;
	v33 =	vld.idx.msk [tilespmem:v55+s10+$0x0], $0xffff  }
0x1c1: {  	s3 =	sand.u32 $0x200, s29;
	s26 =	sadd.s32 $0xCA00, s7;
	v59 =	vor.u32 v10, v21;
	v32 =	vld.idx.msk [tilespmem:v56+s10+$0x0], $0xffff  }
0x1c2: {  	s11 =	sadd.s32 s3, s26;
	v28 =	vld.idx.msk [tilespmem:v28+s10+$0x0], $0xffff;
	[tilespmem:s24+$0x10] =	vst v27;
	v27 =	vor.u32 v10, v20  }
0x1c3: {  	v37 =	vor.u32 v1, v18;
	[tilespmem:s11+$0x0] =	vst v26;
	v30 =	vld.idx.msk [tilespmem:v30+s10+$0x0], $0xffff  }
0x1c4: {  	s25 =	simm.s32 $0x300;
	v60 =	vor.u32 v1, v16;
	[tilespmem:s4+$0x10] =	vst v31;
	v31 =	vld.idx.msk [tilespmem:v57+s10+$0x0], $0xffff  }
0x1c5: {  	s28 =	simm.s32 $0x280;
	s8 =	sand.u32 $0x300, s25;
	v38 =	vor.u32 v1, v17;
	[tilespmem:s1+$0x10] =	vst v29;
	v35 =	vld.idx.msk [tilespmem:v58+s10+$0x0], $0xffff  }
0x1c6: {  	s9 =	sand.u32 $0x280, s28;
	s5 =	simm.s32 $0x380;
	s13 =	sadd.s32 s8, s26;
	v61 =	vor.u32 v1, v19;
	[tilespmem:s0+$0x10] =	vst v33;
	v36 =	vld.idx.msk [tilespmem:v59+s10+$0x0], $0xffff  }
0x1c7: {  	s14 =	sadd.s32 s9, s26;
	s6 =	sand.u32 $0x380, s5;
	v29 =	vor.u32 v11, v25;
	[tilespmem:s13+$0x0] =	vst v32;
	v27 =	vld.idx.msk [tilespmem:v27+s10+$0x0], $0xffff  }
0x1c8: {  	v62 =	vor.u32 v11, v24;
	s12 =	sadd.s32 s6, s26;
	[tilespmem:s14+$0x0] =	vst v28;
	v28 =	vld.idx.msk [tilespmem:v37+s10+$0x0], $0xffff  }
0x1c9: {  	v63 =	vor.u32 v11, v21;
	v34 =	vld.idx.msk [tilespmem:v60+s10+$0x0], $0xffff;
	[tilespmem:s12+$0x0] =	vst v30  }
0x1ca: {  	v26 =	vor.u32 v2, v18;
	[tilespmem:s24+$0x20] =	vst v31;
	v31 =	vld.idx.msk [tilespmem:v38+s10+$0x0], $0xffff  }
0x1cb: {  	v40 =	vor.u32 v2, v16;
	v30 =	vld.idx.msk [tilespmem:v61+s10+$0x0], $0xffff;
	[tilespmem:s4+$0x20] =	vst v35  }
0x1cc: {  	v43 =	vor.u32 v11, v20;
	[tilespmem:s1+$0x20] =	vst v36;
	v29 =	vld.idx.msk [tilespmem:v29+s10+$0x0], $0xffff  }
0x1cd: {  	v42 =	vor.u32 v2, v17;
	v33 =	vld.idx.msk [tilespmem:v62+s10+$0x0], $0xffff;
	[tilespmem:s13+$0x10] =	vst v28  }
0x1ce: {  	v41 =	vor.u32 v12, v25;
	v36 =	vld.idx.msk [tilespmem:v63+s10+$0x0], $0xffff;
	[tilespmem:s14+$0x10] =	vst v34  }
0x1cf: {  	v45 =	vor.u32 v12, v24;
	[tilespmem:s0+$0x20] =	vst v27;
	v26 =	vld.idx.msk [tilespmem:v26+s10+$0x0], $0xffff  }
0x1d0: {  	v50 =	vor.u32 v12, v21;
	v44 =	vld.idx.msk [tilespmem:v40+s10+$0x0], $0xffff;
	[tilespmem:s11+$0x10] =	vst v31  }
0x1d1: {  	v28 =	vor.u32 v2, v19;
	[tilespmem:s12+$0x10] =	vst v30;
	v48 =	vld.idx.msk [tilespmem:v43+s10+$0x0], $0xffff  }
0x1d2: {  	[tilespmem:s24+$0x30] =	vst v29;
	v29 =	vor.u32 v3, v18;
	v46 =	vld.idx.msk [tilespmem:v42+s10+$0x0], $0xffff  }
0x1d3: {  	v47 =	vor.u32 v3, v16;
	[tilespmem:s4+$0x30] =	vst v33;
	v31 =	vld.idx.msk [tilespmem:v41+s10+$0x0], $0xffff  }
0x1d4: {  	v27 =	vor.u32 v3, v17;
	[tilespmem:s1+$0x30] =	vst v36;
	v49 =	vld.idx.msk [tilespmem:v45+s10+$0x0], $0xffff  }
0x1d5: {  	v30 =	vor.u32 v13, v25;
	v37 =	vld.idx.msk [tilespmem:v50+s10+$0x0], $0xffff;
	[tilespmem:s13+$0x20] =	vst v26  }
0x1d6: {  	v54 =	vor.u32 v13, v24;
	v28 =	vld.idx.msk [tilespmem:v28+s10+$0x0], $0xffff;
	[tilespmem:s14+$0x20] =	vst v44  }
0x1d7: {  	v26 =	vor.u32 v3, v19;
	[tilespmem:s0+$0x30] =	vst v48;
	v29 =	vld.idx.msk [tilespmem:v29+s10+$0x0], $0xffff  }
0x1d8: {  	v51 =	vor.u32 v4, v18;
	v35 =	vld.idx.msk [tilespmem:v47+s10+$0x0], $0xffff;
	[tilespmem:s11+$0x20] =	vst v46  }
0x1d9: {  	v52 =	vor.u32 v4, v16;
	[tilespmem:s24+$0x40] =	vst v31;
	v27 =	vld.idx.msk [tilespmem:v27+s10+$0x0], $0xffff  }
0x1da: {  	v31 =	vor.u32 v12, v20;
	[tilespmem:s4+$0x40] =	vst v49;
	v30 =	vld.idx.msk [tilespmem:v30+s10+$0x0], $0xffff  }
0x1db: {  	v53 =	vor.u32 v4, v17;
	v33 =	vld.idx.msk [tilespmem:v54+s10+$0x0], $0xffff;
	[tilespmem:s12+$0x20] =	vst v28  }
0x1dc: {  	v28 =	vor.u32 v14, v25;
	v26 =	vld.idx.msk [tilespmem:v26+s10+$0x0], $0xffff;
	[tilespmem:s13+$0x30] =	vst v29  }
0x1dd: {  	v55 =	vor.u32 v13, v21;
	[tilespmem:s14+$0x30] =	vst v35;
	v32 =	vld.idx.msk [tilespmem:v51+s10+$0x0], $0xffff  }
0x1de: {  	[tilespmem:s1+$0x40] =	vst v37;
	v29 =	vor.u32 v4, v19;
	v35 =	vld.idx.msk [tilespmem:v52+s10+$0x0], $0xffff  }
0x1df: {  	v31 =	vld.idx.msk [tilespmem:v31+s10+$0x0], $0xffff;
	[tilespmem:s11+$0x30] =	vst v27;
	v27 =	vor.u32 v5, v18  }
0x1e0: {  	v56 =	vor.u32 v5, v16;
	[tilespmem:s24+$0x50] =	vst v30;
	v30 =	vld.idx.msk [tilespmem:v53+s10+$0x0], $0xffff  }
0x1e1: {  	v58 =	vor.u32 v13, v20;
	v28 =	vld.idx.msk [tilespmem:v28+s10+$0x0], $0xffff;
	[tilespmem:s12+$0x30] =	vst v26  }
0x1e2: {  	v37 =	vld.idx.msk [tilespmem:v55+s10+$0x0], $0xffff;
	v25 =	vor.u32 v15, v25;
	[tilespmem:s13+$0x40] =	vst v32  }
0x1e3: {  	v26 =	vld.idx.msk [tilespmem:v29+s10+$0x0], $0xffff;
	v29 =	vor.u32 v5, v17;
	[tilespmem:s14+$0x40] =	vst v35  }
0x1e4: {  	s30 =	simm.s32 $0x9;
	v60 =	vor.u32 v14, v24;
	[tilespmem:s0+$0x40] =	vst v31;
	v27 =	vld.idx.msk [tilespmem:v27+s10+$0x0], $0xffff  }
0x1e5: {  	v57 =	vor.u32 v5, v19;
	v59 =	vmov s30;
	v36 =	vld.idx.msk [tilespmem:v56+s10+$0x0], $0xffff;
	[tilespmem:s11+$0x40] =	vst v30  }
0x1e6: {  	v30 =	vor.u32 v6, v18;
	v41 =	vld.idx.msk [tilespmem:v58+s10+$0x0], $0xffff;
	[tilespmem:s24+$0x60] =	vst v28;
	v28 =	vand.u32 $0xFFFFFFFD, v59  }
0x1e7: {  	v39 =	vor.u32 v6, v16;
	v61 =	vld.idx.msk [tilespmem:v25+s10+$0x0], $0xffff;
	v28 =	vbroadcast v28, $0x0  }
0x1e8: {  	[tilespmem:s4+$0x50] =	vst v33;
	v29 =	vld.idx.msk [tilespmem:v29+s10+$0x0], $0xffff  }
0x1e9: {  	v31 =	vor.u32 v6, v17;
	v25 =	vld.idx.msk [tilespmem:v60+s10+$0x0], $0xffff;
	[tilespmem:s12+$0x40] =	vst v26  }
0x1ea: {  	v63 =	vor.u32 v14, v21;
	v40 =	vld.idx.msk [tilespmem:v57+s10+$0x0], $0xffff;
	[tilespmem:s13+$0x50] =	vst v27  }
0x1eb: {  	v62 =	vor.u32 v6, v19;
	[tilespmem:s14+$0x50] =	vst v36;
	v30 =	vld.idx.msk [tilespmem:v30+s10+$0x0], $0xffff  }
0x1ec: {  	[tilespmem:s1+$0x50] =	vst v37;
	v32 =	vor.u32 v14, v20;
	v27 =	vld.idx.msk [tilespmem:v39+s10+$0x0], $0xffff  }
0x1ed: {  	v34 =	vor.u32 v7, v18;
	v26 =	vld.idx.msk [tilespmem:v28+s21+$0x0], $0xffff;
	[tilespmem:s11+$0x50] =	vst v29  }
0x1ee: {  	[tilespmem:s0+$0x50] =	vst v41;
	v28 =	vld.idx.msk [tilespmem:v31+s10+$0x0], $0xffff;
	v31 =	vor.u32 v7, v16  }
0x1ef: {  	s31 =	simm.s32 $0xA;
	v33 =	vor.u32 v15, v24;
	v24 =	vld.idx.msk [tilespmem:v63+s10+$0x0], $0xffff;
	[tilespmem:s12+$0x50] =	vst v40  }
0x1f0: {  	s15 =	simm.s32 $0xC;
	v35 =	vor.u32 v7, v17;
	v36 =	vmov s31;
	[tilespmem:s24+$0x70] =	vst v61;
	v29 =	vld.idx.msk [tilespmem:v62+s10+$0x0], $0xffff  }
.LBB2_5:
0x1f1: {  	p0 =	slt.u32 s15, $0xC4;
	v36 =	vand.u32 $0xFFFFFFFE, v36;
	[tilespmem:s13+$0x60] =	vst v30;
	v30 =	vor.u32 v7, v19;
	v32 =	vld.idx.msk [tilespmem:v32+s10+$0x0], $0xffff  }
0x1f2: {  	v36 =	vbroadcast v36, $0x0;
	[tilespmem:s14+$0x60] =	vst v27;
	v27 =	vld.idx.msk [tilespmem:v34+s10+$0x0], $0xffff;
	v34 =	vor.u32 v15, v21;
	v21 =	vmov v17  }
0x1f3: {  	v17 =	vld.idx.msk [tilespmem:v31+s10+$0x0], $0xffff;
	[tilespmem:s4+$0x60] =	vst v25  }
0x1f4: {  	v25 =	vor.u32 v8, v18;
	[tilespmem:s11+$0x60] =	vst v28;
	v28 =	vld.idx.msk [tilespmem:v33+s10+$0x0], $0xffff  }
0x1f5: {  	v33 =	vor.u32 v8, v16;
	v31 =	vld.idx.msk [tilespmem:v35+s10+$0x0], $0xffff;
	[tilespmem:s12+$0x60] =	vst v29  }
0x1f6: {  	v29 =	vld.idx.msk [tilespmem:v30+s10+$0x0], $0xffff;
	[tilespmem:s1+$0x60] =	vst v24;
	v24 =	vor.u32 v15, v20;
	v20 =	vmov v19  }
0x1f7: {  	v19 =	vmov s15;
	v30 =	vor.u32 v8, v21;
	v34 =	vld.idx.msk [tilespmem:v34+s10+$0x0], $0xffff;
	[tilespmem:s0+$0x60] =	vst v32  }
0x1f8: {  	s16 =	sadd.s32 $0x3, s15;
	v19 =	vand.u32 $0xFFFFFFFC, v19;
	v32 =	vld.idx.msk [tilespmem:v36+s21+$0x0], $0xffff;
	[tilespmem:s13+$0x70] =	vst v27;
	v27 =	vor.u32 v8, v20  }
0x1f9: {  	v35 =	vmov s16;
	v19 =	vbroadcast v19, $0x0;
	[tilespmem:s14+$0x70] =	vst v17;
	v36 =	vld.idx.msk [tilespmem:v25+s10+$0x0], $0xffff  }
0x1fa: {  	v33 =	vld.idx.msk [tilespmem:v33+s10+$0x0], $0xffff;
	[tilespmem:s4+$0x70] =	vst v28  }
0x1fb: {  	v28 =	vor.u32 v9, v18;
	[tilespmem:s11+$0x70] =	vst v31;
	v31 =	vld.idx.msk [tilespmem:v24+s10+$0x0], $0xffff  }
0x1fc: {  	v37 =	vor.u32 v9, v16;
	v17 =	vshll.u32 v23, $0x8;
	v30 =	vld.idx.msk [tilespmem:v30+s10+$0x0], $0xffff;
	[tilespmem:s12+$0x70] =	vst v29  }
0x1fd: {  	s7 =	sadd.s32 $0xCE00, s7;
	v29 =	vor.u32 v0, v17;
	v27 =	vld.idx.msk [tilespmem:v27+s10+$0x0], $0xffff;
	[tilespmem:s1+$0x70] =	vst v34  }
0x1fe: {  	s16 =	sadd.s32 s8, s7;
	s4 =	sadd.s32 s9, s7;
	s1 =	sadd.s32 s3, s7;
	v34 =	vld.idx.msk [tilespmem:v35+s21+$0x0], $0xffff;
	v35 =	vor.u32 v9, v21  }
0x1ff: {  	v25 =	vshll.u32 v32, $0x8;
	s3 =	sadd.s32 s6, s7;
	v32 =	vor.u32 v9, v20;
	v23 =	vld.idx.msk [tilespmem:v19+s21+$0x0], $0xffff;
	[tilespmem:s16+$0x0] =	vst v36  }
0x200: {  	v24 =	vshll.u32 v26, $0x8;
	v26 =	vor.u32 v0, v25;
	[tilespmem:s4+$0x0] =	vst v33;
	v28 =	vld.idx.msk [tilespmem:v28+s10+$0x0], $0xffff  }
0x201: {  	v33 =	vor.u32 v0, v24;
	v36 =	vld.idx.msk [tilespmem:v37+s10+$0x0], $0xffff;
	[tilespmem:s0+$0x70] =	vst v31;
	s0 =	smov.u32 s3  }
0x202: {  	v29 =	vld.idx.msk [tilespmem:v29+s10+$0x0], $0xffff;
	[tilespmem:s1+$0x0] =	vst v30;
	v30 =	vor.u32 v10, v18  }
0x203: {  	v19 =	vshll.u32 v22, $0x8;
	v31 =	vld.idx.msk [tilespmem:v35+s10+$0x0], $0xffff;
	v35 =	vor.u32 v10, v16;
	[tilespmem:s0+$0x0] =	vst v27  }
0x204: {  	v27 =	vor.u32 v0, v19;
	v22 =	vmov v34;
	v32 =	vld.idx.msk [tilespmem:v32+s10+$0x0], $0xffff  }
0x205: {  	v34 =	vor.u32 v10, v21;
	v26 =	vld.idx.msk [tilespmem:v26+s10+$0x0], $0xffff  }
0x206: {  	v33 =	vld.idx.msk [tilespmem:v33+s10+$0x0], $0xffff;
	[tilespmem:s16+$0x10] =	vst v28;
	v28 =	vor.u32 v10, v20  }
0x207: {  	s5 =	sadd.s32 $0x200, s5;
	s2 =	sadd.s32 $0x400, s2;
	v37 =	vor.u32 v1, v25;
	[tilespmem:s4+$0x10] =	vst v36;
	v30 =	vld.idx.msk [tilespmem:v30+s10+$0x0], $0xffff  }
0x208: {  	s7 =	sand.u32 $0xF800, s2;
	s6 =	sadd.s32 $0xFFFFFF80, s5;
	s3 =	sadd.s32 $0xFFFFFE80, s5;
	v36 =	vor.u32 v1, v24;
	v35 =	vld.idx.msk [tilespmem:v35+s10+$0x0], $0xffff  }
0x209: {  	s9 =	sadd.s32 $0xFFFFFF00, s5;
	s12 =	sadd.s32 $0xCA00, s7;
	s8 =	sand.u32 $0x300, s6;
	v27 =	vld.idx.msk [tilespmem:v27+s10+$0x0], $0xffff;
	[tilespmem:s1+$0x10] =	vst v31;
	v31 =	vor.u32 v11, v18  }
0x20a: {  	v38 =	vor.u32 v1, v17;
	s9 =	sand.u32 $0x280, s9;
	s13 =	sadd.s32 s8, s12;
	s3 =	sand.u32 $0x200, s3;
	v34 =	vld.idx.msk [tilespmem:v34+s10+$0x0], $0xffff;
	[tilespmem:s0+$0x10] =	vst v32  }
0x20b: {  	s6 =	sand.u32 $0x380, s5;
	s14 =	sadd.s32 s9, s12;
	s11 =	sadd.s32 s3, s12;
	[tilespmem:s13+$0x0] =	vst v26;
	v26 =	vor.u32 v1, v19;
	v28 =	vld.idx.msk [tilespmem:v28+s10+$0x0], $0xffff  }
0x20c: {  	s12 =	sadd.s32 s6, s12;
	[tilespmem:s14+$0x0] =	vst v33;
	v32 =	vld.idx.msk [tilespmem:v37+s10+$0x0], $0xffff;
	v33 =	vor.u32 v11, v16  }
0x20d: {  	v37 =	vor.u32 v11, v21;
	v36 =	vld.idx.msk [tilespmem:v36+s10+$0x0], $0xffff;
	[tilespmem:s16+$0x20] =	vst v30  }
0x20e: {  	[tilespmem:s11+$0x0] =	vst v29;
	v29 =	vor.u32 v2, v25;
	v30 =	vld.idx.msk [tilespmem:v31+s10+$0x0], $0xffff  }
0x20f: {  	v31 =	vld.idx.msk [tilespmem:v38+s10+$0x0], $0xffff;
	v38 =	vor.u32 v2, v24;
	[tilespmem:s12+$0x0] =	vst v27  }
0x210: {  	v27 =	vor.u32 v12, v18;
	v26 =	vld.idx.msk [tilespmem:v26+s10+$0x0], $0xffff;
	[tilespmem:s4+$0x20] =	vst v35  }
0x211: {  	v35 =	vor.u32 v2, v17;
	[tilespmem:s1+$0x20] =	vst v34;
	v33 =	vld.idx.msk [tilespmem:v33+s10+$0x0], $0xffff  }
0x212: {  	[tilespmem:s13+$0x10] =	vst v32;
	v32 =	vor.u32 v2, v19;
	v34 =	vld.idx.msk [tilespmem:v37+s10+$0x0], $0xffff  }
0x213: {  	[tilespmem:s14+$0x10] =	vst v36;
	v29 =	vld.idx.msk [tilespmem:v29+s10+$0x0], $0xffff;
	v36 =	vor.u32 v11, v20  }
0x214: {  	v37 =	vld.idx.msk [tilespmem:v38+s10+$0x0], $0xffff;
	v38 =	vor.u32 v12, v16;
	[tilespmem:s16+$0x30] =	vst v30  }
0x215: {  	v30 =	vor.u32 v3, v25;
	[tilespmem:s11+$0x10] =	vst v31;
	v27 =	vld.idx.msk [tilespmem:v27+s10+$0x0], $0xffff  }
0x216: {  	v31 =	vld.idx.msk [tilespmem:v35+s10+$0x0], $0xffff;
	v35 =	vor.u32 v3, v24;
	[tilespmem:s12+$0x10] =	vst v26  }
0x217: {  	v26 =	vld.idx.msk [tilespmem:v32+s10+$0x0], $0xffff;
	v32 =	vor.u32 v13, v18;
	[tilespmem:s0+$0x20] =	vst v28  }
0x218: {  	v28 =	vor.u32 v3, v17;
	[tilespmem:s4+$0x30] =	vst v33;
	v33 =	vld.idx.msk [tilespmem:v36+s10+$0x0], $0xffff  }
0x219: {  	[tilespmem:s13+$0x20] =	vst v29;
	v29 =	vor.u32 v3, v19;
	v36 =	vld.idx.msk [tilespmem:v38+s10+$0x0], $0xffff  }
0x21a: {  	[tilespmem:s14+$0x20] =	vst v37;
	v30 =	vld.idx.msk [tilespmem:v30+s10+$0x0], $0xffff;
	v37 =	vor.u32 v12, v21  }
0x21b: {  	v35 =	vld.idx.msk [tilespmem:v35+s10+$0x0], $0xffff;
	[tilespmem:s16+$0x40] =	vst v27;
	v27 =	vor.u32 v12, v20  }
0x21c: {  	[tilespmem:s11+$0x20] =	vst v31;
	v31 =	vor.u32 v4, v25;
	v32 =	vld.idx.msk [tilespmem:v32+s10+$0x0], $0xffff  }
0x21d: {  	v38 =	vor.u32 v4, v24;
	v28 =	vld.idx.msk [tilespmem:v28+s10+$0x0], $0xffff;
	[tilespmem:s12+$0x20] =	vst v26  }
0x21e: {  	v26 =	vld.idx.msk [tilespmem:v29+s10+$0x0], $0xffff;
	[tilespmem:s1+$0x30] =	vst v34;
	v29 =	vor.u32 v14, v18  }
0x21f: {  	v34 =	vor.u32 v4, v17;
	v37 =	vld.idx.msk [tilespmem:v37+s10+$0x0], $0xffff;
	[tilespmem:s0+$0x30] =	vst v33  }
0x220: {  	[tilespmem:s13+$0x30] =	vst v30;
	v30 =	vor.u32 v4, v19;
	v27 =	vld.idx.msk [tilespmem:v27+s10+$0x0], $0xffff  }
0x221: {  	v33 =	vor.u32 v13, v16;
	[tilespmem:s14+$0x30] =	vst v35;
	v31 =	vld.idx.msk [tilespmem:v31+s10+$0x0], $0xffff  }
0x222: {  	v35 =	vld.idx.msk [tilespmem:v38+s10+$0x0], $0xffff;
	v38 =	vor.u32 v13, v21;
	[tilespmem:s16+$0x50] =	vst v32  }
0x223: {  	[tilespmem:s11+$0x30] =	vst v28;
	v28 =	vor.u32 v5, v25;
	v29 =	vld.idx.msk [tilespmem:v29+s10+$0x0], $0xffff  }
0x224: {  	v32 =	vld.idx.msk [tilespmem:v34+s10+$0x0], $0xffff;
	v34 =	vor.u32 v5, v24;
	[tilespmem:s12+$0x30] =	vst v26  }
0x225: {  	v26 =	vld.idx.msk [tilespmem:v30+s10+$0x0], $0xffff;
	[tilespmem:s4+$0x40] =	vst v36;
	v30 =	vor.u32 v15, v18;
	v18 =	vmov v25  }
0x226: {  	v25 =	vor.u32 v5, v17;
	[tilespmem:s1+$0x40] =	vst v37;
	v33 =	vld.idx.msk [tilespmem:v33+s10+$0x0], $0xffff  }
0x227: {  	[tilespmem:s13+$0x40] =	vst v31;
	v31 =	vor.u32 v5, v19;
	v36 =	vld.idx.msk [tilespmem:v38+s10+$0x0], $0xffff  }
0x228: {  	s17 =	sadd.s32 $0x1, s15;
	[tilespmem:s14+$0x40] =	vst v35;
	v28 =	vld.idx.msk [tilespmem:v28+s10+$0x0], $0xffff;
	v35 =	vor.u32 v13, v20  }
0x229: {  	v37 =	vmov s17;
	v38 =	vor.u32 v14, v16;
	v34 =	vld.idx.msk [tilespmem:v34+s10+$0x0], $0xffff;
	[tilespmem:s16+$0x60] =	vst v29  }
0x22a: {  	v29 =	vand.u32 $0xFFFFFFFD, v37;
	[tilespmem:s11+$0x40] =	vst v32;
	v32 =	vor.u32 v6, v18;
	v37 =	vld.idx.msk [tilespmem:v30+s10+$0x0], $0xffff  }
0x22b: {  	v40 =	vor.u32 v6, v24;
	v29 =	vbroadcast v29, $0x0;
	v39 =	vld.idx.msk [tilespmem:v25+s10+$0x0], $0xffff;
	[tilespmem:s12+$0x40] =	vst v26  }
0x22c: {  	v41 =	vld.idx.msk [tilespmem:v31+s10+$0x0], $0xffff;
	[tilespmem:s0+$0x40] =	vst v27  }
0x22d: {  	v31 =	vor.u32 v6, v17;
	[tilespmem:s4+$0x50] =	vst v33;
	v42 =	vld.idx.msk [tilespmem:v35+s10+$0x0], $0xffff  }
0x22e: {  	v33 =	vor.u32 v6, v19;
	[tilespmem:s13+$0x50] =	vst v28;
	v25 =	vld.idx.msk [tilespmem:v38+s10+$0x0], $0xffff  }
0x22f: {  	v38 =	vor.u32 v14, v21;
	[tilespmem:s14+$0x50] =	vst v34;
	v30 =	vld.idx.msk [tilespmem:v32+s10+$0x0], $0xffff  }
.Ltmp1:
0x230: {  	v32 =	vor.u32 v14, v20;
	v27 =	vld.idx.msk [tilespmem:v40+s10+$0x0], $0xffff;
	[tilespmem:s16+$0x70] =	vst v37;
	(pc) =	sbr.rel @p0 .LBB2_5-.Ltmp1, $4  }
0x231: {  	v34 =	vor.u32 v7, v18;
	v26 =	vld.idx.msk [tilespmem:v29+s21+$0x0], $0xffff;
	[tilespmem:s11+$0x50] =	vst v39  }
0x232: {  	v28 =	vld.idx.msk [tilespmem:v31+s10+$0x0], $0xffff;
	v31 =	vor.u32 v7, v24;
	[tilespmem:s12+$0x50] =	vst v41  }
0x233: {  	s16 =	sadd.s32 $0x2, s15;
	v29 =	vld.idx.msk [tilespmem:v33+s10+$0x0], $0xffff;
	[tilespmem:s1+$0x50] =	vst v36;
	v33 =	vor.u32 v15, v16;
	v16 =	vmov v24  }
0x234: {  	v35 =	vor.u32 v7, v17;
	s15 =	sadd.s32 $0x4, s15;
	v36 =	vmov s16;
	v24 =	vld.idx.msk [tilespmem:v38+s10+$0x0], $0xffff;
	[tilespmem:s0+$0x50] =	vst v42  }
0x235: {  	v36 =	vand.u32 $0xFFFFFFFE, v36  }
0x236: {  	v36 =	vbroadcast v36, $0x0;
	_ =	sdelay $0x5  }
0x237: {  	[tilespmem:s13+$0x60] =	vst v30;
	v48 =	vld.idx.msk [tilespmem:v36+s21+$0x0], $0xffff  }
0x238: {  	v49 =	vor.u32 v7, v19;
	v32 =	vld.idx.msk [tilespmem:v32+s10+$0x0], $0xffff;
	[tilespmem:s14+$0x60] =	vst v27  }
0x239: {  	v51 =	vor.u32 v15, v21;
	[tilespmem:s4+$0x60] =	vst v25;
	v50 =	vld.idx.msk [tilespmem:v34+s10+$0x0], $0xffff  }
0x23a: {  	v57 =	vor.u32 v15, v20;
	v20 =	vshll.u32 v23, $0x8;
	v52 =	vld.idx.msk [tilespmem:v31+s10+$0x0], $0xffff;
	[tilespmem:s11+$0x60] =	vst v28  }
0x23b: {  	v22 =	vshll.u32 v22, $0x8;
	v54 =	vld.idx.msk [tilespmem:v33+s10+$0x0], $0xffff;
	v63 =	vor.u32 v0, v20;
	[tilespmem:s12+$0x60] =	vst v29  }
0x23c: {  	v37 =	vor.u32 v0, v22;
	v56 =	vld.idx.msk [tilespmem:v35+s10+$0x0], $0xffff;
	[tilespmem:s1+$0x60] =	vst v24;
	v21 =	vshll.u32 v48, $0x8  }
0x23d: {  	v24 =	vshll.u32 v26, $0x8;
	v58 =	vld.idx.msk [tilespmem:v49+s10+$0x0], $0xffff;
	[tilespmem:s0+$0x60] =	vst v32;
	v59 =	vor.u32 v0, v21  }
0x23e: {  	v60 =	vld.idx.msk [tilespmem:v51+s10+$0x0], $0xffff;
	v61 =	vor.u32 v0, v24;
	[tilespmem:s13+$0x70] =	vst v50  }
0x23f: {  	v53 =	vor.u32 v8, v18;
	[tilespmem:s14+$0x70] =	vst v52;
	v39 =	vld.idx.msk [tilespmem:v57+s10+$0x0], $0xffff  }
0x240: {  	v55 =	vor.u32 v8, v16;
	s24 =	sadd.s32 $0x200, s5;
	s2 =	sadd.s32 $0x400, s2;
	[tilespmem:s4+$0x70] =	vst v54;
	v42 =	vld.idx.msk [tilespmem:v63+s10+$0x0], $0xffff  }
0x241: {  	v38 =	vor.u32 v8, v17;
	s16 =	sadd.s32 $0xCE00, s7;
	s25 =	sand.u32 $0xF800, s2;
	s30 =	sadd.s32 $0xFFFFFE80, s24;
	v44 =	vld.idx.msk [tilespmem:v37+s10+$0x0], $0xffff;
	[tilespmem:s11+$0x70] =	vst v56  }
0x242: {  	v40 =	vor.u32 v8, v19;
	s26 =	sadd.s32 $0xFFFFFF80, s24;
	s15 =	sadd.s32 $0xCA00, s25;
	s2 =	sand.u32 $0x200, s30;
	[tilespmem:s12+$0x70] =	vst v58;
	v26 =	vld.idx.msk [tilespmem:v59+s10+$0x0], $0xffff  }
0x243: {  	s28 =	sadd.s32 $0xFFFFFF00, s24;
	s29 =	sand.u32 $0x300, s26;
	s20 =	sadd.s32 s2, s15;
	[tilespmem:s1+$0x70] =	vst v60;
	v23 =	vld.idx.msk [tilespmem:v61+s10+$0x0], $0xffff;
	v41 =	vor.u32 v1, v21  }
0x244: {  	v43 =	vor.u32 v1, v24;
	s4 =	sadd.s32 s8, s16;
	s8 =	sand.u32 $0x280, s28;
	v62 =	vld.idx.msk [tilespmem:v53+s10+$0x0], $0xffff;
	s11 =	sand.u32 $0x380, s24;
	[tilespmem:s0+$0x70] =	vst v39  }
0x245: {  	v45 =	vor.u32 v1, v20;
	s31 =	sadd.s32 s29, s15;
	v36 =	vld.idx.msk [tilespmem:v55+s10+$0x0], $0xffff;
	s17 =	sadd.s32 s8, s15;
	s15 =	sadd.s32 s11, s15;
	[tilespmem:s20+$0x0] =	vst v42  }
0x246: {  	v47 =	vor.u32 v1, v22;
	v46 =	vld.idx.msk [tilespmem:v38+s10+$0x0], $0xffff;
	[tilespmem:s15+$0x0] =	vst v44  }
0x247: {  	v57 =	vor.u32 v9, v17;
	v34 =	vld.idx.msk [tilespmem:v40+s10+$0x0], $0xffff;
	[tilespmem:s31+$0x0] =	vst v26  }
0x248: {  	v48 =	vor.u32 v9, v18;
	[tilespmem:s17+$0x0] =	vst v23;
	v50 =	vld.idx.msk [tilespmem:v41+s10+$0x0], $0xffff  }
0x249: {  	s1 =	sadd.s32 s9, s16;
	[tilespmem:s4+$0x0] =	vst v62;
	v51 =	vor.u32 v2, v21;
	v27 =	vld.idx.msk [tilespmem:v43+s10+$0x0], $0xffff  }
0x24a: {  	s22 =	sadd.s32 s3, s16;
	v53 =	vor.u32 v2, v24;
	[tilespmem:s1+$0x0] =	vst v36;
	v52 =	vld.idx.msk [tilespmem:v45+s10+$0x0], $0xffff  }
0x24b: {  	s23 =	sadd.s32 s6, s16;
	v54 =	vor.u32 v2, v20;
	v28 =	vld.idx.msk [tilespmem:v47+s10+$0x0], $0xffff;
	[tilespmem:s22+$0x0] =	vst v46  }
0x24c: {  	v56 =	vor.u32 v2, v22;
	v62 =	vld.idx.msk [tilespmem:v57+s10+$0x0], $0xffff;
	[tilespmem:s23+$0x0] =	vst v34  }
0x24d: {  	v49 =	vor.u32 v9, v16;
	v55 =	vld.idx.msk [tilespmem:v48+s10+$0x0], $0xffff;
	[tilespmem:s31+$0x10] =	vst v50  }
0x24e: {  	v58 =	vor.u32 v9, v19;
	[tilespmem:s17+$0x10] =	vst v27;
	v25 =	vld.idx.msk [tilespmem:v51+s10+$0x0], $0xffff  }
0x24f: {  	[tilespmem:s20+$0x10] =	vst v52;
	v59 =	vor.u32 v3, v21;
	v27 =	vld.idx.msk [tilespmem:v53+s10+$0x0], $0xffff  }
0x250: {  	v60 =	vor.u32 v3, v24;
	[tilespmem:s15+$0x10] =	vst v28;
	v29 =	vld.idx.msk [tilespmem:v54+s10+$0x0], $0xffff  }
0x251: {  	v61 =	vor.u32 v3, v20;
	v28 =	vld.idx.msk [tilespmem:v56+s10+$0x0], $0xffff;
	[tilespmem:s22+$0x10] =	vst v62  }
0x252: {  	v63 =	vor.u32 v3, v22;
	[tilespmem:s4+$0x10] =	vst v55;
	v26 =	vld.idx.msk [tilespmem:v49+s10+$0x0], $0xffff  }
0x253: {  	v36 =	vor.u32 v10, v18;
	v23 =	vld.idx.msk [tilespmem:v58+s10+$0x0], $0xffff;
	[tilespmem:s31+$0x20] =	vst v25  }
0x254: {  	v53 =	vor.u32 v10, v19;
	[tilespmem:s17+$0x20] =	vst v27;
	v38 =	vld.idx.msk [tilespmem:v59+s10+$0x0], $0xffff  }
0x255: {  	v40 =	vor.u32 v4, v21;
	[tilespmem:s20+$0x20] =	vst v29;
	v39 =	vld.idx.msk [tilespmem:v60+s10+$0x0], $0xffff  }
0x256: {  	v42 =	vor.u32 v4, v24;
	[tilespmem:s15+$0x20] =	vst v28;
	v41 =	vld.idx.msk [tilespmem:v61+s10+$0x0], $0xffff  }
0x257: {  	v43 =	vor.u32 v4, v20;
	[tilespmem:s1+$0x10] =	vst v26;
	v26 =	vld.idx.msk [tilespmem:v63+s10+$0x0], $0xffff  }
0x258: {  	v45 =	vor.u32 v4, v22;
	[tilespmem:s23+$0x10] =	vst v23;
	v44 =	vld.idx.msk [tilespmem:v36+s10+$0x0], $0xffff  }
0x259: {  	v47 =	vor.u32 v11, v18;
	v60 =	vld.idx.msk [tilespmem:v53+s10+$0x0], $0xffff;
	[tilespmem:s31+$0x30] =	vst v38  }
0x25a: {  	v37 =	vor.u32 v10, v16;
	[tilespmem:s17+$0x30] =	vst v39;
	v29 =	vld.idx.msk [tilespmem:v40+s10+$0x0], $0xffff  }
0x25b: {  	v48 =	vor.u32 v5, v21;
	[tilespmem:s20+$0x30] =	vst v41;
	v30 =	vld.idx.msk [tilespmem:v42+s10+$0x0], $0xffff  }
0x25c: {  	v49 =	vor.u32 v5, v24;
	v28 =	vld.idx.msk [tilespmem:v43+s10+$0x0], $0xffff;
	[tilespmem:s15+$0x30] =	vst v26  }
0x25d: {  	[tilespmem:s4+$0x20] =	vst v44;
	v50 =	vor.u32 v5, v20;
	v23 =	vld.idx.msk [tilespmem:v45+s10+$0x0], $0xffff  }
0x25e: {  	v52 =	vor.u32 v5, v22;
	v27 =	vld.idx.msk [tilespmem:v47+s10+$0x0], $0xffff;
	[tilespmem:s23+$0x20] =	vst v60  }
0x25f: {  	v46 =	vor.u32 v10, v17;
	v25 =	vld.idx.msk [tilespmem:v37+s10+$0x0], $0xffff;
	[tilespmem:s31+$0x40] =	vst v29  }
0x260: {  	v41 =	vor.u32 v11, v19;
	[tilespmem:s17+$0x40] =	vst v30;
	v55 =	vld.idx.msk [tilespmem:v48+s10+$0x0], $0xffff  }
0x261: {  	v57 =	vor.u32 v6, v21;
	[tilespmem:s20+$0x40] =	vst v28;
	v56 =	vld.idx.msk [tilespmem:v49+s10+$0x0], $0xffff  }
0x262: {  	v58 =	vor.u32 v6, v24;
	v26 =	vld.idx.msk [tilespmem:v50+s10+$0x0], $0xffff;
	[tilespmem:s15+$0x40] =	vst v23  }
0x263: {  	[tilespmem:s4+$0x30] =	vst v27;
	v59 =	vor.u32 v6, v20;
	v23 =	vld.idx.msk [tilespmem:v52+s10+$0x0], $0xffff  }
0x264: {  	v61 =	vor.u32 v6, v22;
	v51 =	vld.idx.msk [tilespmem:v46+s10+$0x0], $0xffff;
	[tilespmem:s1+$0x20] =	vst v25  }
0x265: {  	v62 =	vor.u32 v12, v18;
	v46 =	vld.idx.msk [tilespmem:v41+s10+$0x0], $0xffff;
	[tilespmem:s31+$0x50] =	vst v55  }
0x266: {  	v54 =	vor.u32 v11, v16;
	[tilespmem:s17+$0x50] =	vst v56;
	v28 =	vld.idx.msk [tilespmem:v57+s10+$0x0], $0xffff  }
0x267: {  	v36 =	vor.u32 v7, v21;
	[tilespmem:s20+$0x50] =	vst v26;
	v31 =	vld.idx.msk [tilespmem:v58+s10+$0x0], $0xffff  }
0x268: {  	v37 =	vor.u32 v7, v24;
	v25 =	vld.idx.msk [tilespmem:v59+s10+$0x0], $0xffff;
	[tilespmem:s15+$0x50] =	vst v23  }
0x269: {  	[tilespmem:s22+$0x20] =	vst v51;
	v38 =	vor.u32 v7, v20;
	v23 =	vld.idx.msk [tilespmem:v61+s10+$0x0], $0xffff  }
0x26a: {  	v39 =	vld.idx.msk [tilespmem:v62+s10+$0x0], $0xffff;
	[tilespmem:s23+$0x30] =	vst v46;
	v40 =	vor.u32 v7, v22  }
0x26b: {  	v63 =	vor.u32 v11, v17;
	v29 =	vld.idx.msk [tilespmem:v54+s10+$0x0], $0xffff;
	[tilespmem:s31+$0x60] =	vst v28  }
0x26c: {  	v48 =	vor.u32 v12, v16;
	[tilespmem:s17+$0x60] =	vst v31;
	v26 =	vld.idx.msk [tilespmem:v36+s10+$0x0], $0xffff  }
0x26d: {  	v43 =	vor.u32 v8, v21;
	[tilespmem:s20+$0x60] =	vst v25;
	v31 =	vld.idx.msk [tilespmem:v37+s10+$0x0], $0xffff  }
0x26e: {  	v44 =	vor.u32 v8, v24;
	v27 =	vld.idx.msk [tilespmem:v38+s10+$0x0], $0xffff;
	[tilespmem:s15+$0x60] =	vst v23  }
0x26f: {  	v45 =	vor.u32 v8, v20;
	[tilespmem:s4+$0x40] =	vst v39;
	v23 =	vld.idx.msk [tilespmem:v40+s10+$0x0], $0xffff  }
0x270: {  	v47 =	vor.u32 v8, v22;
	v30 =	vld.idx.msk [tilespmem:v63+s10+$0x0], $0xffff;
	[tilespmem:s1+$0x30] =	vst v29  }
0x271: {  	v42 =	vor.u32 v13, v18;
	v53 =	vld.idx.msk [tilespmem:v48+s10+$0x0], $0xffff;
	[tilespmem:s31+$0x70] =	vst v26  }
0x272: {  	v62 =	vor.u32 v13, v16;
	[tilespmem:s17+$0x70] =	vst v31;
	v25 =	vld.idx.msk [tilespmem:v43+s10+$0x0], $0xffff  }
0x273: {  	v50 =	vor.u32 v9, v21;
	[tilespmem:s20+$0x70] =	vst v27;
	v31 =	vld.idx.msk [tilespmem:v44+s10+$0x0], $0xffff  }
0x274: {  	v51 =	vor.u32 v9, v24;
	v29 =	vld.idx.msk [tilespmem:v45+s10+$0x0], $0xffff;
	[tilespmem:s15+$0x70] =	vst v23  }
0x275: {  	s24 =	sadd.s32 $0xCE00, s25;
	v52 =	vor.u32 v9, v20;
	[tilespmem:s22+$0x30] =	vst v30;
	v23 =	vld.idx.msk [tilespmem:v47+s10+$0x0], $0xffff  }
0x276: {  	s25 =	sadd.s32 s29, s24;
	v54 =	vor.u32 v9, v22;
	[tilespmem:s1+$0x40] =	vst v53;
	v28 =	vld.idx.msk [tilespmem:v42+s10+$0x0], $0xffff  }
0x277: {  	s5 =	sadd.s32 s8, s24;
	v49 =	vor.u32 v12, v17;
	v40 =	vld.idx.msk [tilespmem:v62+s10+$0x0], $0xffff;
	[tilespmem:s25+$0x0] =	vst v25  }
0x278: {  	s26 =	sadd.s32 s2, s24;
	v55 =	vor.u32 v14, v18;
	[tilespmem:s5+$0x0] =	vst v31;
	v27 =	vld.idx.msk [tilespmem:v50+s10+$0x0], $0xffff  }
0x279: {  	s28 =	sadd.s32 s11, s24;
	v57 =	vor.u32 v10, v21;
	[tilespmem:s26+$0x0] =	vst v29;
	v31 =	vld.idx.msk [tilespmem:v51+s10+$0x0], $0xffff  }
0x27a: {  	v58 =	vor.u32 v10, v24;
	v30 =	vld.idx.msk [tilespmem:v52+s10+$0x0], $0xffff;
	[tilespmem:s28+$0x0] =	vst v23  }
0x27b: {  	v59 =	vor.u32 v10, v20;
	[tilespmem:s4+$0x50] =	vst v28;
	v23 =	vld.idx.msk [tilespmem:v54+s10+$0x0], $0xffff  }
0x27c: {  	v61 =	vor.u32 v10, v22;
	[tilespmem:s1+$0x50] =	vst v40;
	v26 =	vld.idx.msk [tilespmem:v49+s10+$0x0], $0xffff  }
0x27d: {  	v56 =	vor.u32 v12, v19;
	v60 =	vld.idx.msk [tilespmem:v55+s10+$0x0], $0xffff;
	[tilespmem:s25+$0x10] =	vst v27  }
0x27e: {  	v49 =	vor.u32 v14, v16;
	[tilespmem:s5+$0x10] =	vst v31;
	v27 =	vld.idx.msk [tilespmem:v57+s10+$0x0], $0xffff  }
0x27f: {  	v37 =	vor.u32 v11, v21;
	[tilespmem:s26+$0x10] =	vst v30;
	v36 =	vld.idx.msk [tilespmem:v58+s10+$0x0], $0xffff  }
0x280: {  	v38 =	vor.u32 v11, v24;
	v28 =	vld.idx.msk [tilespmem:v59+s10+$0x0], $0xffff;
	[tilespmem:s28+$0x10] =	vst v23  }
0x281: {  	v39 =	vor.u32 v11, v20;
	[tilespmem:s22+$0x40] =	vst v26;
	v26 =	vld.idx.msk [tilespmem:v61+s10+$0x0], $0xffff  }
0x282: {  	v41 =	vor.u32 v11, v22;
	[tilespmem:s4+$0x60] =	vst v60;
	v25 =	vld.idx.msk [tilespmem:v56+s10+$0x0], $0xffff  }
0x283: {  	v63 =	vor.u32 v15, v18;
	v54 =	vld.idx.msk [tilespmem:v49+s10+$0x0], $0xffff;
	[tilespmem:s25+$0x20] =	vst v27  }
0x284: {  	v42 =	vor.u32 v13, v17;
	[tilespmem:s5+$0x20] =	vst v36;
	v30 =	vld.idx.msk [tilespmem:v37+s10+$0x0], $0xffff  }
0x285: {  	v44 =	vor.u32 v12, v21;
	[tilespmem:s26+$0x20] =	vst v28;
	v23 =	vld.idx.msk [tilespmem:v38+s10+$0x0], $0xffff  }
0x286: {  	v45 =	vor.u32 v12, v24;
	v28 =	vld.idx.msk [tilespmem:v39+s10+$0x0], $0xffff;
	[tilespmem:s28+$0x20] =	vst v26  }
0x287: {  	v46 =	vor.u32 v12, v20;
	[tilespmem:s23+$0x40] =	vst v25;
	v25 =	vld.idx.msk [tilespmem:v41+s10+$0x0], $0xffff  }
0x288: {  	v48 =	vor.u32 v12, v22;
	v18 =	vld.idx.msk [tilespmem:v63+s10+$0x0], $0xffff;
	[tilespmem:s1+$0x60] =	vst v54  }
0x289: {  	v16 =	vor.u32 v15, v16;
	v47 =	vld.idx.msk [tilespmem:v42+s10+$0x0], $0xffff;
	[tilespmem:s25+$0x30] =	vst v30  }
0x28a: {  	v43 =	vor.u32 v13, v19;
	[tilespmem:s5+$0x30] =	vst v23;
	v29 =	vld.idx.msk [tilespmem:v44+s10+$0x0], $0xffff  }
0x28b: {  	v51 =	vor.u32 v13, v21;
	[tilespmem:s26+$0x30] =	vst v28;
	v31 =	vld.idx.msk [tilespmem:v45+s10+$0x0], $0xffff  }
0x28c: {  	v52 =	vor.u32 v13, v24;
	v26 =	vld.idx.msk [tilespmem:v46+s10+$0x0], $0xffff;
	[tilespmem:s28+$0x30] =	vst v25  }
0x28d: {  	v53 =	vor.u32 v13, v20;
	[tilespmem:s4+$0x70] =	vst v18;
	v18 =	vld.idx.msk [tilespmem:v48+s10+$0x0], $0xffff  }
0x28e: {  	v55 =	vor.u32 v13, v22;
	[tilespmem:s22+$0x50] =	vst v47;
	v16 =	vld.idx.msk [tilespmem:v16+s10+$0x0], $0xffff  }
0x28f: {  	v50 =	vor.u32 v14, v17;
	v27 =	vld.idx.msk [tilespmem:v43+s10+$0x0], $0xffff;
	[tilespmem:s25+$0x40] =	vst v29  }
0x290: {  	v56 =	vor.u32 v14, v19;
	[tilespmem:s5+$0x40] =	vst v31;
	v23 =	vld.idx.msk [tilespmem:v51+s10+$0x0], $0xffff  }
0x291: {  	v57 =	vor.u32 v14, v21;
	[tilespmem:s26+$0x40] =	vst v26;
	v25 =	vld.idx.msk [tilespmem:v52+s10+$0x0], $0xffff  }
0x292: {  	v58 =	vor.u32 v14, v24;
	v26 =	vld.idx.msk [tilespmem:v53+s10+$0x0], $0xffff;
	[tilespmem:s28+$0x40] =	vst v18  }
0x293: {  	v59 =	vor.u32 v14, v20;
	[tilespmem:s1+$0x70] =	vst v16;
	v18 =	vld.idx.msk [tilespmem:v55+s10+$0x0], $0xffff  }
0x294: {  	v61 =	vor.u32 v14, v22;
	[tilespmem:s23+$0x50] =	vst v27;
	v30 =	vld.idx.msk [tilespmem:v50+s10+$0x0], $0xffff  }
0x295: {  	v17 =	vor.u32 v15, v17;
	v60 =	vld.idx.msk [tilespmem:v56+s10+$0x0], $0xffff;
	[tilespmem:s25+$0x50] =	vst v23  }
0x296: {  	v62 =	vor.u32 v15, v19;
	[tilespmem:s5+$0x50] =	vst v25;
	v23 =	vld.idx.msk [tilespmem:v57+s10+$0x0], $0xffff  }
0x297: {  	v21 =	vor.u32 v15, v21;
	[tilespmem:s26+$0x50] =	vst v26;
	v25 =	vld.idx.msk [tilespmem:v58+s10+$0x0], $0xffff  }
0x298: {  	v24 =	vor.u32 v15, v24;
	v26 =	vld.idx.msk [tilespmem:v59+s10+$0x0], $0xffff;
	[tilespmem:s28+$0x50] =	vst v18  }
0x299: {  	v20 =	vor.u32 v15, v20;
	[tilespmem:s22+$0x60] =	vst v30;
	v18 =	vld.idx.msk [tilespmem:v61+s10+$0x0], $0xffff  }
0x29a: {  	v16 =	vor.u32 v15, v22;
	[tilespmem:s23+$0x60] =	vst v60;
	v17 =	vld.idx.msk [tilespmem:v17+s10+$0x0], $0xffff  }
0x29b: {  	v19 =	vld.idx.msk [tilespmem:v62+s10+$0x0], $0xffff;
	[tilespmem:s25+$0x60] =	vst v23  }
0x29c: {  	[tilespmem:s5+$0x60] =	vst v25;
	v21 =	vld.idx.msk [tilespmem:v21+s10+$0x0], $0xffff  }
0x29d: {  	[tilespmem:s26+$0x60] =	vst v26;
	v63 =	vld.idx.msk [tilespmem:v24+s10+$0x0], $0xffff  }
0x29e: {  	v20 =	vld.idx.msk [tilespmem:v20+s10+$0x0], $0xffff;
	[tilespmem:s28+$0x60] =	vst v18  }
0x29f: {  	[tilespmem:s22+$0x70] =	vst v17;
	v16 =	vld.idx.msk [tilespmem:v16+s10+$0x0], $0xffff  }
0x2a0: {  	[tilespmem:s23+$0x70] =	vst v19  }
0x2a1: {  	[tilespmem:s25+$0x70] =	vst v21  }
0x2a2: {  	s0 =	sld [smem:$0x7FB];
	[tilespmem:s5+$0x70] =	vst v63  }
0x2a3: {  	[tilespmem:s26+$0x70] =	vst v20  }
0x2a4: {  	[tilespmem:s28+$0x70] =	vst v16  }
0x2a5: {  	s31 =	sld [smem:$0x7FC];
	_ =	sdelay $0x2  }
0x2a6: {  	s0 =	smul.u32 $0x19000, s0;
	s2 =	sadd.s32 $0x1, s31  }
0x2a7: {  	p0 =	sne.s32 s2, $0x10  }
.Ltmp2:
0x2a8: {  	s0 =	sshrl.u32 s0, $0x3;
	(pc) =	sbr.rel @p0 .LBB2_2-.Ltmp2, $4  }
0x2a9: {  	s30 =	simm.s32 $0x0;
	s29 =	simm.s32 $0xCA00;
	s0 =	sadd.s32 s18, s0  }
0x2aa: {  	[hbm4b:s0+s30] =	stream.linear.scatter [tilespmem:s29], [sflag:$0x4], $0xC800, $0x38;
	[tilespmem:$0x1FA00] =	vst v63  }
0x2ab: {  	s0 =	sadd.s32 $0x1900, s0  }
0x2ac: {  	[hbm4b:s0+s30] =	stream.linear.scatter [tilespmem:s29], [sflag:$0x4], $0xC800, $0x38;
	[tilespmem:$0x1FA00] =	vst v63  }
0x2ad: {  	s0 =	simm.s32 $0x1  }
0x2ae: {  	_ =	swait.ge [sflag:s0], $0xC8  }
0x2af: {  	[sflag:s0] =	ssyncset.done $0x0  }
0x2b0: {  	s30 =	simm.s32 $0x3;
	[sflag:s0] =	ssyncadd.s32 $0xFFFFFF38  }
0x2b1: {  	_ =	swait.ge [sflag:s30], $0xC800  }
0x2b2: {  	[sflag:s30] =	ssyncset.done $0x0  }
0x2b3: {  	[sflag:s30] =	ssyncadd.s32 $0xFFFF3800  }
0x2b4: {  	_ =	swait.ge [sflag:s30], $0xC800  }
0x2b5: {  	[sflag:s30] =	ssyncset.done $0x0  }
0x2b6: {  	s1 =	simm.s32 $0x4;
	[sflag:s30] =	ssyncadd.s32 $0xFFFF3800  }
0x2b7: {  	_ =	swait.ge [sflag:s1], $0xC800  }
0x2b8: {  	[sflag:s1] =	ssyncset.done $0x0  }
0x2b9: {  	[sflag:s1] =	ssyncadd.s32 $0xFFFF3800  }
0x2ba: {  	_ =	swait.ge [sflag:s1], $0xC800  }
0x2bb: {  	s2 =	sld [smem:$0x7FD];
	_ =	sdelay $0x2  }
0x2bc: {  	s31 =	rddreg [dreg:$0x1f];
	s2 =	sadd.s32 $0x1, s2  }
0x2bd: {  	p0 =	sne.s32 s2, s31  }
.Ltmp3:
0x2be: {  	_ = 	snop;
	(pc) =	sbr.rel @p0 .LBB2_1-.Ltmp3, $3  }
0x2bf: {  	_ =	sdelay $0x1  }
0x2c0: {  	[sflag:s1] =	ssyncset.done $0x0  }
0x2c1: {  	[sflag:s1] =	ssyncadd.s32 $0xFFFF3800  }
0x2c2: {  	_ =	sfence.sel $0x180000  }
0x2c3: {  	[bflag:$0x0] =	sbarrier.arrive $0xFFFF  }
0x2c4: {  	_ =	strace $0x90000047  }
0x2c5: {  	s0 =	stileid.u32;
	[bflag:$0x2] =	sbarrier.arrive $0xFFFF  }
0x2c6: {  	p0 =	sne.s32 s0, $0x0;
	s0 =	rddreg [dreg:$0x2]  }
0x2c7: {  	s0 =	sadd.s32 @!p0 $0x100000, s0  }
0x2c8: {  	[sflag:s0] =	ssyncadd.tile.s32 @!p0 $0x1;
	_ =	shalt  }
.Lfunc_end2:
_tile_overlayer_lowered:
.L_overlay_start_2:
0x2c9: {  	(tag) =	ssettag $0x2  }
0x2ca: {  	s0 =	rddreg [dreg:$0x0];
	s2 =	stileid.u32  }
0x2cb: {  	s1 =	rddreg [dreg:$0x1];
	p0 =	sne.s32 s2, $0x0  }
0x2cc: {  	s3 =	rddreg [dreg:$0x2];
	[bflag:$0x3] =	sbarrier.arrive $0xFFFF;
	s2 =	simm.s32 @!p0 $0x1C05  }
0x2cd: {  	[timem:s3], [sflag:s2] =	dma.local @!p0 [hbm:s0], s1  }
0x2ce: {  	s0 =	simm.s32 @!p0 $0x5  }
0x2cf: {  	_ =	swait.ge @!p0 [sflag:s0], s1  }
0x2d0: {  	s1 =	ssub.s32 @!p0 $0x0, s1;
	[sflag:s0] =	ssyncset.done @!p0 $0x0  }
0x2d1: {  	[sflag:s0] =	ssyncadd.s32 @!p0 s1  }
0x2d2: {  	[bflag:$0x3] =	sbarrier.arrive $0xFFFF  }
0x2d3: {  	_ =	shalt  }

</sc_bundles>
